<compile_context>
chip_gen: v7x
topology: tpu7x:2x2x1
jax: 0.10.2.dev20260603
libtpu: 0.0.44.dev20260713+nightly
codegen_flags: <defaults>
</compile_context>

<pallas_src>
import jax
import jax.numpy as jnp
from jax import lax
from jax.experimental import pallas as pl
from jax.experimental.pallas import tpu as pltpu
from jax.experimental.pallas import tpu_sc as plsc

N_NODES = 10000
N_EDGES = 320000
IN_DIM = 128
HIDDEN_DIM = 256

NUM_CORES = 2
NUM_SUBCORES = 16
NUM_WORKERS = NUM_CORES * NUM_SUBCORES
EDGES_PER_WORKER = N_EDGES // NUM_WORKERS
CHUNK = 128
NUM_CHUNKS = EDGES_PER_WORKER // CHUNK
TAIL = EDGES_PER_WORKER - NUM_CHUNKS * CHUNK
N_PAD = 10240
ROWS_PER_TILE = N_PAD // NUM_SUBCORES


def _sc_body(x_hbm, ei_hbm, part_hbm,
             s0_v, s1_v, d0_v, d1_v, rows0_v, rows1_v,
             st_v, dt_v, rt_v, acc_sh,
             gsem0, gsem1, ssem0, ssem1, isem0s, isem1s, isem0d, isem1d):
    c = lax.axis_index("c")
    s = lax.axis_index("s")
    wid = c * NUM_SUBCORES + s

    zv = jnp.zeros((16,), jnp.float32)

    def zrow(r, carry):
        def zcol(j, carry2):
            rows0_v[r, pl.ds(j * 16, 16)] = zv
            return carry2
        return lax.fori_loop(0, IN_DIM // 16, zcol, carry)
    lax.fori_loop(0, CHUNK, zrow, 0)

    row0 = s * ROWS_PER_TILE

    def zacc(k, carry):
        pltpu.sync_copy(rows0_v, acc_sh.at[pl.ds(row0 + k * CHUNK, CHUNK)])
        return carry
    lax.fori_loop(0, ROWS_PER_TILE // CHUNK, zacc, 0)

    ebase = wid * EDGES_PER_WORKER

    def src_at(a):
        return ei_hbm.at[pl.ds(ebase + a * CHUNK, CHUNK)]

    def dst_at(a):
        return ei_hbm.at[pl.ds(N_EDGES + ebase + a * CHUNK, CHUNK)]

    srcb = (s0_v, s1_v)
    dstb = (d0_v, d1_v)
    rows = (rows0_v, rows1_v)
    gsem = (gsem0, gsem1)
    ssem = (ssem0, ssem1)
    issem = (isem0s, isem1s)
    idsem = (isem0d, isem1d)

    def wait_src(a, q):
        pltpu.make_async_copy(src_at(a), srcb[q], issem[q]).wait()

    def wait_dst(a, q):
        pltpu.make_async_copy(dst_at(a), dstb[q], idsem[q]).wait()

    def wait_gather(q):
        pltpu.make_async_copy(x_hbm.at[srcb[q]], rows[q], gsem[q]).wait()

    def wait_scatter(q):
        pltpu.make_async_copy(rows[q], acc_sh.at[dstb[q]], ssem[q]).wait()

    def stage(a, x, gather_next, prefetch_src):
        y = 1 - x
        pltpu.make_async_copy(x_hbm.at[srcb[x]], rows[x], gsem[x]).wait()
        wait_dst(a, x)
        pltpu.async_copy(rows[x], acc_sh.at[dstb[x]], ssem[x], add=True)
        wait_scatter(y)
        if gather_next:
            wait_src(a + 1, y)
            pltpu.async_copy(x_hbm.at[srcb[y]], rows[y], gsem[y])
            pltpu.async_copy(dst_at(a + 1), dstb[y], idsem[y])
        if prefetch_src:
            pltpu.async_copy(src_at(a + 2), srcb[x], issem[x])

    pltpu.sync_copy(src_at(0), s0_v)
    plsc.subcore_barrier()
    pltpu.async_copy(x_hbm.at[s0_v], rows0_v, gsem0)
    pltpu.async_copy(dst_at(0), d0_v, isem0d)
    pltpu.async_copy(src_at(1), s1_v, isem1s)
    wait_gather(0)
    wait_dst(0, 0)
    pltpu.async_copy(rows0_v, acc_sh.at[d0_v], ssem0, add=True)
    wait_src(1, 1)
    pltpu.async_copy(x_hbm.at[s1_v], rows1_v, gsem1)
    pltpu.async_copy(dst_at(1), d1_v, isem1d)
    pltpu.async_copy(src_at(2), s0_v, isem0s)

    def pair_body(i, carry):
        a = 2 * i + 1
        stage(a, 1, True, True)
        stage(a + 1, 0, True, True)
        return carry
    lax.fori_loop(0, (NUM_CHUNKS - 3) // 2, pair_body, 0)
    stage(NUM_CHUNKS - 3, 1, True, True)
    stage(NUM_CHUNKS - 2, 0, True, False)
    stage(NUM_CHUNKS - 1, 1, False, False)
    wait_scatter(1)
    tbase = ebase + NUM_CHUNKS * CHUNK
    pltpu.sync_copy(ei_hbm.at[pl.ds(tbase, TAIL)], st_v)
    pltpu.sync_copy(ei_hbm.at[pl.ds(N_EDGES + tbase, TAIL)], dt_v)
    pltpu.async_copy(x_hbm.at[st_v], rt_v, gsem0).wait()
    pltpu.sync_copy(rt_v, acc_sh.at[dt_v], add=True)
    plsc.subcore_barrier()

    pltpu.sync_copy(acc_sh.at[pl.ds(row0, ROWS_PER_TILE)],
                    part_hbm.at[c, pl.ds(row0, ROWS_PER_TILE)])


@jax.jit
def _sc_scatter(x, ei):
    mesh = plsc.VectorSubcoreMesh(core_axis_name="c", subcore_axis_name="s")
    return pl.kernel(
        _sc_body,
        out_type=jax.ShapeDtypeStruct((NUM_CORES, N_PAD, IN_DIM), jnp.float32),
        mesh=mesh,
        scratch_types=[
            pltpu.VMEM((CHUNK,), jnp.int32),
            pltpu.VMEM((CHUNK,), jnp.int32),
            pltpu.VMEM((CHUNK,), jnp.int32),
            pltpu.VMEM((CHUNK,), jnp.int32),
            pltpu.VMEM((CHUNK, IN_DIM), jnp.float32),
            pltpu.VMEM((CHUNK, IN_DIM), jnp.float32),
            pltpu.VMEM((TAIL,), jnp.int32),
            pltpu.VMEM((TAIL,), jnp.int32),
            pltpu.VMEM((TAIL, IN_DIM), jnp.float32),
            pltpu.VMEM_SHARED((N_PAD, IN_DIM), jnp.float32),
            pltpu.SemaphoreType.DMA,
            pltpu.SemaphoreType.DMA,
            pltpu.SemaphoreType.DMA,
            pltpu.SemaphoreType.DMA,
            pltpu.SemaphoreType.DMA,
            pltpu.SemaphoreType.DMA,
            pltpu.SemaphoreType.DMA,
            pltpu.SemaphoreType.DMA,
        ],
    )(x, ei)


def _mlp_body(x_ref, p_ref, w_ref, o_ref):
    h = x_ref[...] + p_ref[0] + p_ref[1]
    hw = lax.dot_general(h, w_ref[...], (((1,), (1,)), ((), ())),
                         preferred_element_type=jnp.float32)
    o_ref[...] = jnp.maximum(hw, 0.0)


@jax.jit
def _mlp(x, parts, w):
    blk = 1000
    grid = (N_NODES // blk,)
    return pl.pallas_call(
        _mlp_body,
        grid=grid,
        in_specs=[
            pl.BlockSpec((blk, IN_DIM), lambda i: (i, 0)),
            pl.BlockSpec((NUM_CORES, blk, IN_DIM), lambda i: (0, i, 0)),
            pl.BlockSpec((HIDDEN_DIM, IN_DIM), lambda i: (0, 0)),
        ],
        out_specs=pl.BlockSpec((blk, HIDDEN_DIM), lambda i: (i, 0)),
        out_shape=jax.ShapeDtypeStruct((N_NODES, HIDDEN_DIM), jnp.float32),
    )(x, parts, w)


def kernel(x, edge_index, W):
    ei = edge_index.astype(jnp.int32).reshape(2 * N_EDGES)
    parts = _sc_scatter(x, ei)
    return _mlp(x, parts, W)

# --- scband reference (transcript-rebuilt; emitter-appended) ---
"""Pipeline reference for scband-graph-conv-24154896073105 (READ-ONLY COPY).

The authoritative reference and input builder live on the scoring server;
editing this copy changes nothing except your own understanding.
"""

import jax, jax.numpy as jnp
import numpy as np

N_NODES = 10000
N_EDGES = 320000
IN_DIM = 128
HIDDEN_DIM = 256

def setup_inputs(seed: int = 0) -> dict:
    key = jax.random.key(seed)
    k_x, k_e, k_w = jax.random.split(key, 3)
    x = jax.random.normal(k_x, (N_NODES, IN_DIM), dtype=jnp.float32)
    edge_index = jax.random.randint(k_e, (2, N_EDGES), 0, N_NODES, dtype=jnp.int64)
    # Linear(in_dim, hidden_dim, bias=False): torch weight shape [out, in]
    bound = 1.0 / np.sqrt(IN_DIM)
    W = jax.random.uniform(k_w, (HIDDEN_DIM, IN_DIM), dtype=jnp.float32, minval=-bound, maxval=bound)
    return {"x": x, "edge_index": edge_index, "W": W}

def reference(x, edge_index, W):
    # DGL GINConv with default aggregator 'sum', eps=0 (fixed):
    #   h = (1 + eps) * x + sum_{j in N(i)} x_j
    src = edge_index[0]
    dst = edge_index[1]
    msgs = jnp.take(x, src, axis=0)                      # gather source features [E, d]
    agg = jnp.zeros_like(x).at[dst].add(msgs)            # scatter-add to destinations
    h = x + agg                                          # (1+eps)*x with eps=0
    # MLP: relu(Linear(in_dim, hidden_dim, bias=False))
    h = jax.nn.relu(h @ W.T)
    # Sequential layers: activation='relu' (batchnorm=False, dropout=False)
    out = jax.nn.relu(h)
    return out

if __name__ == "__main__":
    import jax
    _d = setup_inputs()
    print(jax.jit(kernel)(*tuple(_d.values())))

</pallas_src>

<mosaic_0001>
#map = affine_map<(d0, d1) -> (0, 0)>
#map1 = affine_map<(d0, d1) -> (0)>
#map2 = affine_map<(d0, d1) -> (0, 0, 0)>
module attributes {stable_mosaic.version = 14 : i64} {
  func.func @_sc_body(%arg0: i32, %arg1: i32, %arg2: memref<10000x128xf32, #tpu.memory_space<hbm>>, %arg3: memref<640000xi32, #tpu.memory_space<hbm>>, %arg4: memref<2x10240x128xf32, #tpu.memory_space<hbm>>, %arg5: memref<128xi32, #tpu.memory_space<vmem>>, %arg6: memref<128xi32, #tpu.memory_space<vmem>>, %arg7: memref<128xi32, #tpu.memory_space<vmem>>, %arg8: memref<128xi32, #tpu.memory_space<vmem>>, %arg9: memref<128x128xf32, #tpu.memory_space<vmem>>, %arg10: memref<128x128xf32, #tpu.memory_space<vmem>>, %arg11: memref<16xi32, #tpu.memory_space<vmem>>, %arg12: memref<16xi32, #tpu.memory_space<vmem>>, %arg13: memref<16x128xf32, #tpu.memory_space<vmem>>, %arg14: memref<10240x128xf32, #tpu.memory_space<vmem_shared>>, %arg15: memref<!tpu.dma_semaphore, #tpu.memory_space<semaphore_mem>>, %arg16: memref<!tpu.dma_semaphore, #tpu.memory_space<semaphore_mem>>, %arg17: memref<!tpu.dma_semaphore, #tpu.memory_space<semaphore_mem>>, %arg18: memref<!tpu.dma_semaphore, #tpu.memory_space<semaphore_mem>>, %arg19: memref<!tpu.dma_semaphore, #tpu.memory_space<semaphore_mem>>, %arg20: memref<!tpu.dma_semaphore, #tpu.memory_space<semaphore_mem>>, %arg21: memref<!tpu.dma_semaphore, #tpu.memory_space<semaphore_mem>>, %arg22: memref<!tpu.dma_semaphore, #tpu.memory_space<semaphore_mem>>) attributes {dimension_semantics = [#tpu.dimension_semantics<core_parallel>, #tpu.dimension_semantics<subcore_parallel>], iteration_bounds = array<i64: 2, 16>, scalar_prefetch = 0 : i64, scratch_operands = 18 : i64, tpu.core_type = #tpu.core_type<sc_vector_subcore>, window_params = [{transform_indices = #map}, {transform_indices = #map1}, {transform_indices = #map2}]} {
    %mul3A = arith.constant 16 : i32
    %mul3A_0 = arith.muli %arg0, %mul3A : i32
    %add3A = arith.addi %mul3A_0, %arg1 : i32
    %broadcast_in_dim3A = arith.constant 0.000000e+00 : f32
    %broadcast_in_dim3A_1 = vector.broadcast %broadcast_in_dim3A : f32 to vector<16xf32>
    %scan3A = arith.constant 0 : i32
    %scan3A_2 = arith.constant 0 : i32
    %scan3A_3 = arith.constant 128 : i32
    %scan3A_4 = arith.addi %scan3A_2, %scan3A_3 : i32
    %scan3A_5 = arith.constant 1 : i32
    scf.for %scan3A_154 = %scan3A_2 to %scan3A_4 step %scan3A_5  : i32 {
      %scan3A_155 = arith.constant 0 : i32
      %scan3A_156 = arith.constant 8 : i32
      %scan3A_157 = arith.addi %scan3A_155, %scan3A_156 : i32
      %scan3A_158 = arith.constant 1 : i32
      scf.for %scan3A_160 = %scan3A_155 to %scan3A_157 step %scan3A_158  : i32 {
        %mul3A_161 = arith.constant 16 : i32
        %mul3A_162 = arith.muli %scan3A_160, %mul3A_161 : i32
        %swap3A = arith.index_cast %scan3A_154 : i32 to index
        %swap3A_163 = arith.index_cast %mul3A_162 : i32 to index
        %swap3A_164 = tpu.vector_load %arg9[%swap3A, %swap3A_163] {strides = array<i32>} : memref<128x128xf32, #tpu.memory_space<vmem>>, vector<1x16xf32>,
        %swap3A_165 = vector.shape_cast %swap3A_164 : vector<1x16xf32> to vector<16xf32>
        %swap3A_166 = vector.shape_cast %broadcast_in_dim3A_1 : vector<16xf32> to vector<1x16xf32>
        tpu.vector_store %arg9[%swap3A, %swap3A_163], %swap3A_166 {strides = array<i32>} : memref<128x128xf32, #tpu.memory_space<vmem>>, vector<1x16xf32>,
      }
      %scan3A_159 = arith.constant 8 : i32
    }
    %scan3A_6 = arith.constant 128 : i32
    %mul3A_7 = arith.constant 640 : i32
    %mul3A_8 = arith.muli %arg1, %mul3A_7 : i32
    %scan3A_9 = arith.constant 0 : i32
    %scan3A_10 = arith.constant 0 : i32
    %scan3A_11 = arith.constant 5 : i32
    %scan3A_12 = arith.addi %scan3A_10, %scan3A_11 : i32
    %scan3A_13 = arith.constant 1 : i32
    scf.for %scan3A_154 = %scan3A_10 to %scan3A_12 step %scan3A_13  : i32 {
      %mul3A_155 = arith.constant 128 : i32
      %mul3A_156 = arith.muli %scan3A_154, %mul3A_155 : i32
      %add3A_157 = arith.addi %mul3A_8, %mul3A_156 : i32
      "tpu.region"() ({
        %run_scoped3A = tpu.sem_alloc : memref<!tpu.dma_semaphore, #tpu.memory_space<semaphore_mem>>
        %dma_start3A_158 = arith.constant 0 : i32
        %dma_start3A_159 = tpu.memref_slice %arg14[%add3A_157, %dma_start3A_158] : memref<10240x128xf32, #tpu.memory_space<vmem_shared>> -> memref<128x128xf32, #tpu.memory_space<vmem_shared>>
        %dma_start3A_160 = arith.constant 0 : i32
        %dma_start3A_161 = tpu.memref_slice %arg14[%add3A_157, %dma_start3A_160] : memref<10240x128xf32, #tpu.memory_space<vmem_shared>> -> memref<128x128xf32, #tpu.memory_space<vmem_shared>>
        tpu.enqueue_dma source(%arg9 : memref<128x128xf32, #tpu.memory_space<vmem>>) target(%dma_start3A_161 : memref<128x128xf32, #tpu.memory_space<vmem_shared>>) target_semaphore(%run_scoped3A : memref<!tpu.dma_semaphore, #tpu.memory_space<semaphore_mem>>)
        %dma_wait3A_162 = arith.constant 0 : i32
        %dma_wait3A_163 = tpu.memref_slice %arg14[%add3A_157, %dma_wait3A_162] : memref<10240x128xf32, #tpu.memory_space<vmem_shared>> -> memref<128x128xf32, #tpu.memory_space<vmem_shared>>
        %dma_wait3A_164 = arith.constant 0 : i32
        %dma_wait3A_165 = tpu.memref_slice %arg14[%add3A_157, %dma_wait3A_164] : memref<10240x128xf32, #tpu.memory_space<vmem_shared>> -> memref<128x128xf32, #tpu.memory_space<vmem_shared>>
        tpu.wait_dma2 semaphore(%run_scoped3A : memref<!tpu.dma_semaphore, #tpu.memory_space<semaphore_mem>>) src(%arg9 : memref<128x128xf32, #tpu.memory_space<vmem>>) dst(%dma_wait3A_165 : memref<128x128xf32, #tpu.memory_space<vmem_shared>>)
        tpu.yield
      }) : () -> ()
    }
    %scan3A_14 = arith.constant 5 : i32
    %mul3A_15 = arith.constant 10000 : i32
    %mul3A_16 = arith.muli %add3A, %mul3A_15 : i32
    %add3A_17 = arith.constant 0 : i32
    %add3A_18 = arith.addi %mul3A_16, %add3A_17 : i32
    "tpu.region"() ({
      %run_scoped3A = tpu.sem_alloc : memref<!tpu.dma_semaphore, #tpu.memory_space<semaphore_mem>>
      %dma_start3A_154 = tpu.memref_slice %arg3[%add3A_18] : memref<640000xi32, #tpu.memory_space<hbm>> -> memref<128xi32, #tpu.memory_space<hbm>>
      %dma_start3A_155 = tpu.memref_slice %arg3[%add3A_18] : memref<640000xi32, #tpu.memory_space<hbm>> -> memref<128xi32, #tpu.memory_space<hbm>>
      tpu.enqueue_dma source(%dma_start3A_155 : memref<128xi32, #tpu.memory_space<hbm>>) target(%arg5 : memref<128xi32, #tpu.memory_space<vmem>>) target_semaphore(%run_scoped3A : memref<!tpu.dma_semaphore, #tpu.memory_space<semaphore_mem>>)
      %dma_wait3A_156 = tpu.memref_slice %arg3[%add3A_18] : memref<640000xi32, #tpu.memory_space<hbm>> -> memref<128xi32, #tpu.memory_space<hbm>>
      %dma_wait3A_157 = tpu.memref_slice %arg3[%add3A_18] : memref<640000xi32, #tpu.memory_space<hbm>> -> memref<128xi32, #tpu.memory_space<hbm>>
      tpu.wait_dma2 semaphore(%run_scoped3A : memref<!tpu.dma_semaphore, #tpu.memory_space<semaphore_mem>>) src(%dma_wait3A_157 : memref<128xi32, #tpu.memory_space<hbm>>) dst(%arg5 : memref<128xi32, #tpu.memory_space<vmem>>)
      tpu.yield
    }) : () -> ()
    %barrier3A = arith.constant 0 : index
    tpu.barrier barrier_id(%barrier3A)
    %dma_start3A = arith.constant 0 : i32
    %dma_start3A_19 = arith.constant 0 : i32
    %dma_start3A_20 = tpu.memref_slice %arg2[%dma_start3A, %dma_start3A_19] : memref<10000x128xf32, #tpu.memory_space<hbm>> -> memref<10000x128xf32, #tpu.memory_space<hbm>>
    tpu.enqueue_indirect_dma source(%dma_start3A_20 : memref<10000x128xf32, #tpu.memory_space<hbm>>) target(%arg9 : memref<128x128xf32, #tpu.memory_space<vmem>>) offsets(%arg5 : memref<128xi32, #tpu.memory_space<vmem>>) semaphore(%arg15 : memref<!tpu.dma_semaphore, #tpu.memory_space<semaphore_mem>>)
    %add3A_21 = arith.constant 320000 : i32
    %add3A_22 = arith.addi %add3A_21, %mul3A_16 : i32
    %add3A_23 = arith.constant 0 : i32
    %add3A_24 = arith.addi %add3A_22, %add3A_23 : i32
    %dma_start3A_25 = tpu.memref_slice %arg3[%add3A_24] : memref<640000xi32, #tpu.memory_space<hbm>> -> memref<128xi32, #tpu.memory_space<hbm>>
    %dma_start3A_26 = tpu.memref_slice %arg3[%add3A_24] : memref<640000xi32, #tpu.memory_space<hbm>> -> memref<128xi32, #tpu.memory_space<hbm>>
    tpu.enqueue_dma source(%dma_start3A_26 : memref<128xi32, #tpu.memory_space<hbm>>) target(%arg7 : memref<128xi32, #tpu.memory_space<vmem>>) target_semaphore(%arg21 : memref<!tpu.dma_semaphore, #tpu.memory_space<semaphore_mem>>)
    %add3A_27 = arith.constant 128 : i32
    %add3A_28 = arith.addi %mul3A_16, %add3A_27 : i32
    %dma_start3A_29 = tpu.memref_slice %arg3[%add3A_28] : memref<640000xi32, #tpu.memory_space<hbm>> -> memref<128xi32, #tpu.memory_space<hbm>>
    %dma_start3A_30 = tpu.memref_slice %arg3[%add3A_28] : memref<640000xi32, #tpu.memory_space<hbm>> -> memref<128xi32, #tpu.memory_space<hbm>>
    tpu.enqueue_dma source(%dma_start3A_30 : memref<128xi32, #tpu.memory_space<hbm>>) target(%arg6 : memref<128xi32, #tpu.memory_space<vmem>>) target_semaphore(%arg20 : memref<!tpu.dma_semaphore, #tpu.memory_space<semaphore_mem>>)
    %dma_wait3A = arith.constant 0 : i32
    %dma_wait3A_31 = arith.constant 0 : i32
    %dma_wait3A_32 = tpu.memref_slice %arg2[%dma_wait3A, %dma_wait3A_31] : memref<10000x128xf32, #tpu.memory_space<hbm>> -> memref<10000x128xf32, #tpu.memory_space<hbm>>
    tpu.wait_indirect_dma semaphore(%arg15 : memref<!tpu.dma_semaphore, #tpu.memory_space<semaphore_mem>>) src(%dma_wait3A_32 : memref<10000x128xf32, #tpu.memory_space<hbm>>) dst(%arg9 : memref<128x128xf32, #tpu.memory_space<vmem>>)
    %add3A_33 = arith.constant 320000 : i32
    %add3A_34 = arith.addi %add3A_33, %mul3A_16 : i32
    %add3A_35 = arith.constant 0 : i32
    %add3A_36 = arith.addi %add3A_34, %add3A_35 : i32
    %dma_wait3A_37 = tpu.memref_slice %arg3[%add3A_36] : memref<640000xi32, #tpu.memory_space<hbm>> -> memref<128xi32, #tpu.memory_space<hbm>>
    %dma_wait3A_38 = tpu.memref_slice %arg3[%add3A_36] : memref<640000xi32, #tpu.memory_space<hbm>> -> memref<128xi32, #tpu.memory_space<hbm>>
    tpu.wait_dma2 semaphore(%arg21 : memref<!tpu.dma_semaphore, #tpu.memory_space<semaphore_mem>>) src(%dma_wait3A_38 : memref<128xi32, #tpu.memory_space<hbm>>) dst(%arg7 : memref<128xi32, #tpu.memory_space<vmem>>)
    %dma_start3A_39 = arith.constant 0 : i32
    %dma_start3A_40 = arith.constant 0 : i32
    %dma_start3A_41 = tpu.memref_slice %arg14[%dma_start3A_39, %dma_start3A_40] : memref<10240x128xf32, #tpu.memory_space<vmem_shared>> -> memref<10240x128xf32, #tpu.memory_space<vmem_shared>>
    tpu.enqueue_indirect_dma source(%arg9 : memref<128x128xf32, #tpu.memory_space<vmem>>) target(%dma_start3A_41 : memref<10240x128xf32, #tpu.memory_space<vmem_shared>>) offsets(%arg7 : memref<128xi32, #tpu.memory_space<vmem>>) semaphore(%arg17 : memref<!tpu.dma_semaphore, #tpu.memory_space<semaphore_mem>>) {add = true}
    %add3A_42 = arith.constant 128 : i32
    %add3A_43 = arith.addi %mul3A_16, %add3A_42 : i32
    %dma_wait3A_44 = tpu.memref_slice %arg3[%add3A_43] : memref<640000xi32, #tpu.memory_space<hbm>> -> memref<128xi32, #tpu.memory_space<hbm>>
    %dma_wait3A_45 = tpu.memref_slice %arg3[%add3A_43] : memref<640000xi32, #tpu.memory_space<hbm>> -> memref<128xi32, #tpu.memory_space<hbm>>
    tpu.wait_dma2 semaphore(%arg20 : memref<!tpu.dma_semaphore, #tpu.memory_space<semaphore_mem>>) src(%dma_wait3A_45 : memref<128xi32, #tpu.memory_space<hbm>>) dst(%arg6 : memref<128xi32, #tpu.memory_space<vmem>>)
    %dma_start3A_46 = arith.constant 0 : i32
    %dma_start3A_47 = arith.constant 0 : i32
    %dma_start3A_48 = tpu.memref_slice %arg2[%dma_start3A_46, %dma_start3A_47] : memref<10000x128xf32, #tpu.memory_space<hbm>> -> memref<10000x128xf32, #tpu.memory_space<hbm>>
    tpu.enqueue_indirect_dma source(%dma_start3A_48 : memref<10000x128xf32, #tpu.memory_space<hbm>>) target(%arg10 : memref<128x128xf32, #tpu.memory_space<vmem>>) offsets(%arg6 : memref<128xi32, #tpu.memory_space<vmem>>) semaphore(%arg16 : memref<!tpu.dma_semaphore, #tpu.memory_space<semaphore_mem>>)
    %add3A_49 = arith.constant 320000 : i32
    %add3A_50 = arith.addi %add3A_49, %mul3A_16 : i32
    %add3A_51 = arith.constant 128 : i32
    %add3A_52 = arith.addi %add3A_50, %add3A_51 : i32
    %dma_start3A_53 = tpu.memref_slice %arg3[%add3A_52] : memref<640000xi32, #tpu.memory_space<hbm>> -> memref<128xi32, #tpu.memory_space<hbm>>
    %dma_start3A_54 = tpu.memref_slice %arg3[%add3A_52] : memref<640000xi32, #tpu.memory_space<hbm>> -> memref<128xi32, #tpu.memory_space<hbm>>
    tpu.enqueue_dma source(%dma_start3A_54 : memref<128xi32, #tpu.memory_space<hbm>>) target(%arg8 : memref<128xi32, #tpu.memory_space<vmem>>) target_semaphore(%arg22 : memref<!tpu.dma_semaphore, #tpu.memory_space<semaphore_mem>>)
    %add3A_55 = arith.constant 256 : i32
    %add3A_56 = arith.addi %mul3A_16, %add3A_55 : i32
    %dma_start3A_57 = tpu.memref_slice %arg3[%add3A_56] : memref<640000xi32, #tpu.memory_space<hbm>> -> memref<128xi32, #tpu.memory_space<hbm>>
    %dma_start3A_58 = tpu.memref_slice %arg3[%add3A_56] : memref<640000xi32, #tpu.memory_space<hbm>> -> memref<128xi32, #tpu.memory_space<hbm>>
    tpu.enqueue_dma source(%dma_start3A_58 : memref<128xi32, #tpu.memory_space<hbm>>) target(%arg5 : memref<128xi32, #tpu.memory_space<vmem>>) target_semaphore(%arg19 : memref<!tpu.dma_semaphore, #tpu.memory_space<semaphore_mem>>)
    %scan3A_59 = arith.constant 0 : i32
    %scan3A_60 = arith.constant 0 : i32
    %scan3A_61 = arith.constant 37 : i32
    %scan3A_62 = arith.addi %scan3A_60, %scan3A_61 : i32
    %scan3A_63 = arith.constant 1 : i32
    scf.for %scan3A_154 = %scan3A_60 to %scan3A_62 step %scan3A_63  : i32 {
      %mul3A_155 = arith.constant 2 : i32
      %mul3A_156 = arith.muli %mul3A_155, %scan3A_154 : i32
      %add3A_157 = arith.constant 1 : i32
      %add3A_158 = arith.addi %mul3A_156, %add3A_157 : i32
      %dma_wait3A_159 = arith.constant 0 : i32
      %dma_wait3A_160 = arith.constant 0 : i32
      %dma_wait3A_161 = tpu.memref_slice %arg2[%dma_wait3A_159, %dma_wait3A_160] : memref<10000x128xf32, #tpu.memory_space<hbm>> -> memref<10000x128xf32, #tpu.memory_space<hbm>>
      tpu.wait_indirect_dma semaphore(%arg16 : memref<!tpu.dma_semaphore, #tpu.memory_space<semaphore_mem>>) src(%dma_wait3A_161 : memref<10000x128xf32, #tpu.memory_space<hbm>>) dst(%arg10 : memref<128x128xf32, #tpu.memory_space<vmem>>)
      %add3A_162 = arith.constant 320000 : i32
      %add3A_163 = arith.addi %add3A_162, %mul3A_16 : i32
      %mul3A_164 = arith.constant 128 : i32
      %mul3A_165 = arith.muli %add3A_158, %mul3A_164 : i32
      %add3A_166 = arith.addi %add3A_163, %mul3A_165 : i32
      %dma_wait3A_167 = tpu.memref_slice %arg3[%add3A_166] : memref<640000xi32, #tpu.memory_space<hbm>> -> memref<128xi32, #tpu.memory_space<hbm>>
      %dma_wait3A_168 = tpu.memref_slice %arg3[%add3A_166] : memref<640000xi32, #tpu.memory_space<hbm>> -> memref<128xi32, #tpu.memory_space<hbm>>
      tpu.wait_dma2 semaphore(%arg22 : memref<!tpu.dma_semaphore, #tpu.memory_space<semaphore_mem>>) src(%dma_wait3A_168 : memref<128xi32, #tpu.memory_space<hbm>>) dst(%arg8 : memref<128xi32, #tpu.memory_space<vmem>>)
      %dma_start3A_169 = arith.constant 0 : i32
      %dma_start3A_170 = arith.constant 0 : i32
      %dma_start3A_171 = tpu.memref_slice %arg14[%dma_start3A_169, %dma_start3A_170] : memref<10240x128xf32, #tpu.memory_space<vmem_shared>> -> memref<10240x128xf32, #tpu.memory_space<vmem_shared>>
      tpu.enqueue_indirect_dma source(%arg10 : memref<128x128xf32, #tpu.memory_space<vmem>>) target(%dma_start3A_171 : memref<10240x128xf32, #tpu.memory_space<vmem_shared>>) offsets(%arg8 : memref<128xi32, #tpu.memory_space<vmem>>) semaphore(%arg18 : memref<!tpu.dma_semaphore, #tpu.memory_space<semaphore_mem>>) {add = true}
      %dma_wait3A_172 = arith.constant 0 : i32
      %dma_wait3A_173 = arith.constant 0 : i32
      %dma_wait3A_174 = tpu.memref_slice %arg14[%dma_wait3A_172, %dma_wait3A_173] : memref<10240x128xf32, #tpu.memory_space<vmem_shared>> -> memref<10240x128xf32, #tpu.memory_space<vmem_shared>>
      tpu.wait_indirect_dma semaphore(%arg17 : memref<!tpu.dma_semaphore, #tpu.memory_space<semaphore_mem>>) src(%arg9 : memref<128x128xf32, #tpu.memory_space<vmem>>) dst(%dma_wait3A_174 : memref<10240x128xf32, #tpu.memory_space<vmem_shared>>)
      %add3A_175 = arith.constant 1 : i32
      %add3A_176 = arith.addi %add3A_158, %add3A_175 : i32
      %mul3A_177 = arith.constant 128 : i32
      %mul3A_178 = arith.muli %add3A_176, %mul3A_177 : i32
      %add3A_179 = arith.addi %mul3A_16, %mul3A_178 : i32
      %dma_wait3A_180 = tpu.memref_slice %arg3[%add3A_179] : memref<640000xi32, #tpu.memory_space<hbm>> -> memref<128xi32, #tpu.memory_space<hbm>>
      %dma_wait3A_181 = tpu.memref_slice %arg3[%add3A_179] : memref<640000xi32, #tpu.memory_space<hbm>> -> memref<128xi32, #tpu.memory_space<hbm>>
      tpu.wait_dma2 semaphore(%arg19 : memref<!tpu.dma_semaphore, #tpu.memory_space<semaphore_mem>>) src(%dma_wait3A_181 : memref<128xi32, #tpu.memory_space<hbm>>) dst(%arg5 : memref<128xi32, #tpu.memory_space<vmem>>)
      %dma_start3A_182 = arith.constant 0 : i32
      %dma_start3A_183 = arith.constant 0 : i32
      %dma_start3A_184 = tpu.memref_slice %arg2[%dma_start3A_182, %dma_start3A_183] : memref<10000x128xf32, #tpu.memory_space<hbm>> -> memref<10000x128xf32, #tpu.memory_space<hbm>>
      tpu.enqueue_indirect_dma source(%dma_start3A_184 : memref<10000x128xf32, #tpu.memory_space<hbm>>) target(%arg9 : memref<128x128xf32, #tpu.memory_space<vmem>>) offsets(%arg5 : memref<128xi32, #tpu.memory_space<vmem>>) semaphore(%arg15 : memref<!tpu.dma_semaphore, #tpu.memory_space<semaphore_mem>>)
      %add3A_185 = arith.constant 1 : i32
      %add3A_186 = arith.addi %add3A_158, %add3A_185 : i32
      %add3A_187 = arith.constant 320000 : i32
      %add3A_188 = arith.addi %add3A_187, %mul3A_16 : i32
      %mul3A_189 = arith.constant 128 : i32
      %mul3A_190 = arith.muli %add3A_186, %mul3A_189 : i32
      %add3A_191 = arith.addi %add3A_188, %mul3A_190 : i32
      %dma_start3A_192 = tpu.memref_slice %arg3[%add3A_191] : memref<640000xi32, #tpu.memory_space<hbm>> -> memref<128xi32, #tpu.memory_space<hbm>>
      %dma_start3A_193 = tpu.memref_slice %arg3[%add3A_191] : memref<640000xi32, #tpu.memory_space<hbm>> -> memref<128xi32, #tpu.memory_space<hbm>>
      tpu.enqueue_dma source(%dma_start3A_193 : memref<128xi32, #tpu.memory_space<hbm>>) target(%arg7 : memref<128xi32, #tpu.memory_space<vmem>>) target_semaphore(%arg21 : memref<!tpu.dma_semaphore, #tpu.memory_space<semaphore_mem>>)
      %add3A_194 = arith.constant 2 : i32
      %add3A_195 = arith.addi %add3A_158, %add3A_194 : i32
      %mul3A_196 = arith.constant 128 : i32
      %mul3A_197 = arith.muli %add3A_195, %mul3A_196 : i32
      %add3A_198 = arith.addi %mul3A_16, %mul3A_197 : i32
      %dma_start3A_199 = tpu.memref_slice %arg3[%add3A_198] : memref<640000xi32, #tpu.memory_space<hbm>> -> memref<128xi32, #tpu.memory_space<hbm>>
      %dma_start3A_200 = tpu.memref_slice %arg3[%add3A_198] : memref<640000xi32, #tpu.memory_space<hbm>> -> memref<128xi32, #tpu.memory_space<hbm>>
      tpu.enqueue_dma source(%dma_start3A_200 : memref<128xi32, #tpu.memory_space<hbm>>) target(%arg6 : memref<128xi32, #tpu.memory_space<vmem>>) target_semaphore(%arg20 : memref<!tpu.dma_semaphore, #tpu.memory_space<semaphore_mem>>)
      %add3A_201 = arith.constant 1 : i32
      %add3A_202 = arith.addi %add3A_158, %add3A_201 : i32
      %dma_wait3A_203 = arith.constant 0 : i32
      %dma_wait3A_204 = arith.constant 0 : i32
      %dma_wait3A_205 = tpu.memref_slice %arg2[%dma_wait3A_203, %dma_wait3A_204] : memref<10000x128xf32, #tpu.memory_space<hbm>> -> memref<10000x128xf32, #tpu.memory_space<hbm>>
      tpu.wait_indirect_dma semaphore(%arg15 : memref<!tpu.dma_semaphore, #tpu.memory_space<semaphore_mem>>) src(%dma_wait3A_205 : memref<10000x128xf32, #tpu.memory_space<hbm>>) dst(%arg9 : memref<128x128xf32, #tpu.memory_space<vmem>>)
      %add3A_206 = arith.constant 320000 : i32
      %add3A_207 = arith.addi %add3A_206, %mul3A_16 : i32
      %mul3A_208 = arith.constant 128 : i32
      %mul3A_209 = arith.muli %add3A_202, %mul3A_208 : i32
      %add3A_210 = arith.addi %add3A_207, %mul3A_209 : i32
      %dma_wait3A_211 = tpu.memref_slice %arg3[%add3A_210] : memref<640000xi32, #tpu.memory_space<hbm>> -> memref<128xi32, #tpu.memory_space<hbm>>
      %dma_wait3A_212 = tpu.memref_slice %arg3[%add3A_210] : memref<640000xi32, #tpu.memory_space<hbm>> -> memref<128xi32, #tpu.memory_space<hbm>>
      tpu.wait_dma2 semaphore(%arg21 : memref<!tpu.dma_semaphore, #tpu.memory_space<semaphore_mem>>) src(%dma_wait3A_212 : memref<128xi32, #tpu.memory_space<hbm>>) dst(%arg7 : memref<128xi32, #tpu.memory_space<vmem>>)
      %dma_start3A_213 = arith.constant 0 : i32
      %dma_start3A_214 = arith.constant 0 : i32
      %dma_start3A_215 = tpu.memref_slice %arg14[%dma_start3A_213, %dma_start3A_214] : memref<10240x128xf32, #tpu.memory_space<vmem_shared>> -> memref<10240x128xf32, #tpu.memory_space<vmem_shared>>
      tpu.enqueue_indirect_dma source(%arg9 : memref<128x128xf32, #tpu.memory_space<vmem>>) target(%dma_start3A_215 : memref<10240x128xf32, #tpu.memory_space<vmem_shared>>) offsets(%arg7 : memref<128xi32, #tpu.memory_space<vmem>>) semaphore(%arg17 : memref<!tpu.dma_semaphore, #tpu.memory_space<semaphore_mem>>) {add = true}
      %dma_wait3A_216 = arith.constant 0 : i32
      %dma_wait3A_217 = arith.constant 0 : i32
      %dma_wait3A_218 = tpu.memref_slice %arg14[%dma_wait3A_216, %dma_wait3A_217] : memref<10240x128xf32, #tpu.memory_space<vmem_shared>> -> memref<10240x128xf32, #tpu.memory_space<vmem_shared>>
      tpu.wait_indirect_dma semaphore(%arg18 : memref<!tpu.dma_semaphore, #tpu.memory_space<semaphore_mem>>) src(%arg10 : memref<128x128xf32, #tpu.memory_space<vmem>>) dst(%dma_wait3A_218 : memref<10240x128xf32, #tpu.memory_space<vmem_shared>>)
      %add3A_219 = arith.constant 1 : i32
      %add3A_220 = arith.addi %add3A_202, %add3A_219 : i32
      %mul3A_221 = arith.constant 128 : i32
      %mul3A_222 = arith.muli %add3A_220, %mul3A_221 : i32
      %add3A_223 = arith.addi %mul3A_16, %mul3A_222 : i32
      %dma_wait3A_224 = tpu.memref_slice %arg3[%add3A_223] : memref<640000xi32, #tpu.memory_space<hbm>> -> memref<128xi32, #tpu.memory_space<hbm>>
      %dma_wait3A_225 = tpu.memref_slice %arg3[%add3A_223] : memref<640000xi32, #tpu.memory_space<hbm>> -> memref<128xi32, #tpu.memory_space<hbm>>
      tpu.wait_dma2 semaphore(%arg20 : memref<!tpu.dma_semaphore, #tpu.memory_space<semaphore_mem>>) src(%dma_wait3A_225 : memref<128xi32, #tpu.memory_space<hbm>>) dst(%arg6 : memref<128xi32, #tpu.memory_space<vmem>>)
      %dma_start3A_226 = arith.constant 0 : i32
      %dma_start3A_227 = arith.constant 0 : i32
      %dma_start3A_228 = tpu.memref_slice %arg2[%dma_start3A_226, %dma_start3A_227] : memref<10000x128xf32, #tpu.memory_space<hbm>> -> memref<10000x128xf32, #tpu.memory_space<hbm>>
      tpu.enqueue_indirect_dma source(%dma_start3A_228 : memref<10000x128xf32, #tpu.memory_space<hbm>>) target(%arg10 : memref<128x128xf32, #tpu.memory_space<vmem>>) offsets(%arg6 : memref<128xi32, #tpu.memory_space<vmem>>) semaphore(%arg16 : memref<!tpu.dma_semaphore, #tpu.memory_space<semaphore_mem>>)
      %add3A_229 = arith.constant 1 : i32
      %add3A_230 = arith.addi %add3A_202, %add3A_229 : i32
      %add3A_231 = arith.constant 320000 : i32
      %add3A_232 = arith.addi %add3A_231, %mul3A_16 : i32
      %mul3A_233 = arith.constant 128 : i32
      %mul3A_234 = arith.muli %add3A_230, %mul3A_233 : i32
      %add3A_235 = arith.addi %add3A_232, %mul3A_234 : i32
      %dma_start3A_236 = tpu.memref_slice %arg3[%add3A_235] : memref<640000xi32, #tpu.memory_space<hbm>> -> memref<128xi32, #tpu.memory_space<hbm>>
      %dma_start3A_237 = tpu.memref_slice %arg3[%add3A_235] : memref<640000xi32, #tpu.memory_space<hbm>> -> memref<128xi32, #tpu.memory_space<hbm>>
      tpu.enqueue_dma source(%dma_start3A_237 : memref<128xi32, #tpu.memory_space<hbm>>) target(%arg8 : memref<128xi32, #tpu.memory_space<vmem>>) target_semaphore(%arg22 : memref<!tpu.dma_semaphore, #tpu.memory_space<semaphore_mem>>)
      %add3A_238 = arith.constant 2 : i32
      %add3A_239 = arith.addi %add3A_202, %add3A_238 : i32
      %mul3A_240 = arith.constant 128 : i32
      %mul3A_241 = arith.muli %add3A_239, %mul3A_240 : i32
      %add3A_242 = arith.addi %mul3A_16, %mul3A_241 : i32
      %dma_start3A_243 = tpu.memref_slice %arg3[%add3A_242] : memref<640000xi32, #tpu.memory_space<hbm>> -> memref<128xi32, #tpu.memory_space<hbm>>
      %dma_start3A_244 = tpu.memref_slice %arg3[%add3A_242] : memref<640000xi32, #tpu.memory_space<hbm>> -> memref<128xi32, #tpu.memory_space<hbm>>
      tpu.enqueue_dma source(%dma_start3A_244 : memref<128xi32, #tpu.memory_space<hbm>>) target(%arg5 : memref<128xi32, #tpu.memory_space<vmem>>) target_semaphore(%arg19 : memref<!tpu.dma_semaphore, #tpu.memory_space<semaphore_mem>>)
    }
    %scan3A_64 = arith.constant 37 : i32
    %dma_wait3A_65 = arith.constant 0 : i32
    %dma_wait3A_66 = arith.constant 0 : i32
    %dma_wait3A_67 = tpu.memref_slice %arg2[%dma_wait3A_65, %dma_wait3A_66] : memref<10000x128xf32, #tpu.memory_space<hbm>> -> memref<10000x128xf32, #tpu.memory_space<hbm>>
    tpu.wait_indirect_dma semaphore(%arg16 : memref<!tpu.dma_semaphore, #tpu.memory_space<semaphore_mem>>) src(%dma_wait3A_67 : memref<10000x128xf32, #tpu.memory_space<hbm>>) dst(%arg10 : memref<128x128xf32, #tpu.memory_space<vmem>>)
    %add3A_68 = arith.constant 320000 : i32
    %add3A_69 = arith.addi %add3A_68, %mul3A_16 : i32
    %add3A_70 = arith.constant 9600 : i32
    %add3A_71 = arith.addi %add3A_69, %add3A_70 : i32
    %dma_wait3A_72 = tpu.memref_slice %arg3[%add3A_71] : memref<640000xi32, #tpu.memory_space<hbm>> -> memref<128xi32, #tpu.memory_space<hbm>>
    %dma_wait3A_73 = tpu.memref_slice %arg3[%add3A_71] : memref<640000xi32, #tpu.memory_space<hbm>> -> memref<128xi32, #tpu.memory_space<hbm>>
    tpu.wait_dma2 semaphore(%arg22 : memref<!tpu.dma_semaphore, #tpu.memory_space<semaphore_mem>>) src(%dma_wait3A_73 : memref<128xi32, #tpu.memory_space<hbm>>) dst(%arg8 : memref<128xi32, #tpu.memory_space<vmem>>)
    %dma_start3A_74 = arith.constant 0 : i32
    %dma_start3A_75 = arith.constant 0 : i32
    %dma_start3A_76 = tpu.memref_slice %arg14[%dma_start3A_74, %dma_start3A_75] : memref<10240x128xf32, #tpu.memory_space<vmem_shared>> -> memref<10240x128xf32, #tpu.memory_space<vmem_shared>>
    tpu.enqueue_indirect_dma source(%arg10 : memref<128x128xf32, #tpu.memory_space<vmem>>) target(%dma_start3A_76 : memref<10240x128xf32, #tpu.memory_space<vmem_shared>>) offsets(%arg8 : memref<128xi32, #tpu.memory_space<vmem>>) semaphore(%arg18 : memref<!tpu.dma_semaphore, #tpu.memory_space<semaphore_mem>>) {add = true}
    %dma_wait3A_77 = arith.constant 0 : i32
    %dma_wait3A_78 = arith.constant 0 : i32
    %dma_wait3A_79 = tpu.memref_slice %arg14[%dma_wait3A_77, %dma_wait3A_78] : memref<10240x128xf32, #tpu.memory_space<vmem_shared>> -> memref<10240x128xf32, #tpu.memory_space<vmem_shared>>
    tpu.wait_indirect_dma semaphore(%arg17 : memref<!tpu.dma_semaphore, #tpu.memory_space<semaphore_mem>>) src(%arg9 : memref<128x128xf32, #tpu.memory_space<vmem>>) dst(%dma_wait3A_79 : memref<10240x128xf32, #tpu.memory_space<vmem_shared>>)
    %add3A_80 = arith.constant 9728 : i32
    %add3A_81 = arith.addi %mul3A_16, %add3A_80 : i32
    %dma_wait3A_82 = tpu.memref_slice %arg3[%add3A_81] : memref<640000xi32, #tpu.memory_space<hbm>> -> memref<128xi32, #tpu.memory_space<hbm>>
    %dma_wait3A_83 = tpu.memref_slice %arg3[%add3A_81] : memref<640000xi32, #tpu.memory_space<hbm>> -> memref<128xi32, #tpu.memory_space<hbm>>
    tpu.wait_dma2 semaphore(%arg19 : memref<!tpu.dma_semaphore, #tpu.memory_space<semaphore_mem>>) src(%dma_wait3A_83 : memref<128xi32, #tpu.memory_space<hbm>>) dst(%arg5 : memref<128xi32, #tpu.memory_space<vmem>>)
    %dma_start3A_84 = arith.constant 0 : i32
    %dma_start3A_85 = arith.constant 0 : i32
    %dma_start3A_86 = tpu.memref_slice %arg2[%dma_start3A_84, %dma_start3A_85] : memref<10000x128xf32, #tpu.memory_space<hbm>> -> memref<10000x128xf32, #tpu.memory_space<hbm>>
    tpu.enqueue_indirect_dma source(%dma_start3A_86 : memref<10000x128xf32, #tpu.memory_space<hbm>>) target(%arg9 : memref<128x128xf32, #tpu.memory_space<vmem>>) offsets(%arg5 : memref<128xi32, #tpu.memory_space<vmem>>) semaphore(%arg15 : memref<!tpu.dma_semaphore, #tpu.memory_space<semaphore_mem>>)
    %add3A_87 = arith.constant 320000 : i32
    %add3A_88 = arith.addi %add3A_87, %mul3A_16 : i32
    %add3A_89 = arith.constant 9728 : i32
    %add3A_90 = arith.addi %add3A_88, %add3A_89 : i32
    %dma_start3A_91 = tpu.memref_slice %arg3[%add3A_90] : memref<640000xi32, #tpu.memory_space<hbm>> -> memref<128xi32, #tpu.memory_space<hbm>>
    %dma_start3A_92 = tpu.memref_slice %arg3[%add3A_90] : memref<640000xi32, #tpu.memory_space<hbm>> -> memref<128xi32, #tpu.memory_space<hbm>>
    tpu.enqueue_dma source(%dma_start3A_92 : memref<128xi32, #tpu.memory_space<hbm>>) target(%arg7 : memref<128xi32, #tpu.memory_space<vmem>>) target_semaphore(%arg21 : memref<!tpu.dma_semaphore, #tpu.memory_space<semaphore_mem>>)
    %add3A_93 = arith.constant 9856 : i32
    %add3A_94 = arith.addi %mul3A_16, %add3A_93 : i32
    %dma_start3A_95 = tpu.memref_slice %arg3[%add3A_94] : memref<640000xi32, #tpu.memory_space<hbm>> -> memref<128xi32, #tpu.memory_space<hbm>>
    %dma_start3A_96 = tpu.memref_slice %arg3[%add3A_94] : memref<640000xi32, #tpu.memory_space<hbm>> -> memref<128xi32, #tpu.memory_space<hbm>>
    tpu.enqueue_dma source(%dma_start3A_96 : memref<128xi32, #tpu.memory_space<hbm>>) target(%arg6 : memref<128xi32, #tpu.memory_space<vmem>>) target_semaphore(%arg20 : memref<!tpu.dma_semaphore, #tpu.memory_space<semaphore_mem>>)
    %dma_wait3A_97 = arith.constant 0 : i32
    %dma_wait3A_98 = arith.constant 0 : i32
    %dma_wait3A_99 = tpu.memref_slice %arg2[%dma_wait3A_97, %dma_wait3A_98] : memref<10000x128xf32, #tpu.memory_space<hbm>> -> memref<10000x128xf32, #tpu.memory_space<hbm>>
    tpu.wait_indirect_dma semaphore(%arg15 : memref<!tpu.dma_semaphore, #tpu.memory_space<semaphore_mem>>) src(%dma_wait3A_99 : memref<10000x128xf32, #tpu.memory_space<hbm>>) dst(%arg9 : memref<128x128xf32, #tpu.memory_space<vmem>>)
    %add3A_100 = arith.constant 320000 : i32
    %add3A_101 = arith.addi %add3A_100, %mul3A_16 : i32
    %add3A_102 = arith.constant 9728 : i32
    %add3A_103 = arith.addi %add3A_101, %add3A_102 : i32
    %dma_wait3A_104 = tpu.memref_slice %arg3[%add3A_103] : memref<640000xi32, #tpu.memory_space<hbm>> -> memref<128xi32, #tpu.memory_space<hbm>>
    %dma_wait3A_105 = tpu.memref_slice %arg3[%add3A_103] : memref<640000xi32, #tpu.memory_space<hbm>> -> memref<128xi32, #tpu.memory_space<hbm>>
    tpu.wait_dma2 semaphore(%arg21 : memref<!tpu.dma_semaphore, #tpu.memory_space<semaphore_mem>>) src(%dma_wait3A_105 : memref<128xi32, #tpu.memory_space<hbm>>) dst(%arg7 : memref<128xi32, #tpu.memory_space<vmem>>)
    %dma_start3A_106 = arith.constant 0 : i32
    %dma_start3A_107 = arith.constant 0 : i32
    %dma_start3A_108 = tpu.memref_slice %arg14[%dma_start3A_106, %dma_start3A_107] : memref<10240x128xf32, #tpu.memory_space<vmem_shared>> -> memref<10240x128xf32, #tpu.memory_space<vmem_shared>>
    tpu.enqueue_indirect_dma source(%arg9 : memref<128x128xf32, #tpu.memory_space<vmem>>) target(%dma_start3A_108 : memref<10240x128xf32, #tpu.memory_space<vmem_shared>>) offsets(%arg7 : memref<128xi32, #tpu.memory_space<vmem>>) semaphore(%arg17 : memref<!tpu.dma_semaphore, #tpu.memory_space<semaphore_mem>>) {add = true}
    %dma_wait3A_109 = arith.constant 0 : i32
    %dma_wait3A_110 = arith.constant 0 : i32
    %dma_wait3A_111 = tpu.memref_slice %arg14[%dma_wait3A_109, %dma_wait3A_110] : memref<10240x128xf32, #tpu.memory_space<vmem_shared>> -> memref<10240x128xf32, #tpu.memory_space<vmem_shared>>
    tpu.wait_indirect_dma semaphore(%arg18 : memref<!tpu.dma_semaphore, #tpu.memory_space<semaphore_mem>>) src(%arg10 : memref<128x128xf32, #tpu.memory_space<vmem>>) dst(%dma_wait3A_111 : memref<10240x128xf32, #tpu.memory_space<vmem_shared>>)
    %add3A_112 = arith.constant 9856 : i32
    %add3A_113 = arith.addi %mul3A_16, %add3A_112 : i32
    %dma_wait3A_114 = tpu.memref_slice %arg3[%add3A_113] : memref<640000xi32, #tpu.memory_space<hbm>> -> memref<128xi32, #tpu.memory_space<hbm>>
    %dma_wait3A_115 = tpu.memref_slice %arg3[%add3A_113] : memref<640000xi32, #tpu.memory_space<hbm>> -> memref<128xi32, #tpu.memory_space<hbm>>
    tpu.wait_dma2 semaphore(%arg20 : memref<!tpu.dma_semaphore, #tpu.memory_space<semaphore_mem>>) src(%dma_wait3A_115 : memref<128xi32, #tpu.memory_space<hbm>>) dst(%arg6 : memref<128xi32, #tpu.memory_space<vmem>>)
    %dma_start3A_116 = arith.constant 0 : i32
    %dma_start3A_117 = arith.constant 0 : i32
    %dma_start3A_118 = tpu.memref_slice %arg2[%dma_start3A_116, %dma_start3A_117] : memref<10000x128xf32, #tpu.memory_space<hbm>> -> memref<10000x128xf32, #tpu.memory_space<hbm>>
    tpu.enqueue_indirect_dma source(%dma_start3A_118 : memref<10000x128xf32, #tpu.memory_space<hbm>>) target(%arg10 : memref<128x128xf32, #tpu.memory_space<vmem>>) offsets(%arg6 : memref<128xi32, #tpu.memory_space<vmem>>) semaphore(%arg16 : memref<!tpu.dma_semaphore, #tpu.memory_space<semaphore_mem>>)
    %add3A_119 = arith.constant 320000 : i32
    %add3A_120 = arith.addi %add3A_119, %mul3A_16 : i32
    %add3A_121 = arith.constant 9856 : i32
    %add3A_122 = arith.addi %add3A_120, %add3A_121 : i32
    %dma_start3A_123 = tpu.memref_slice %arg3[%add3A_122] : memref<640000xi32, #tpu.memory_space<hbm>> -> memref<128xi32, #tpu.memory_space<hbm>>
    %dma_start3A_124 = tpu.memref_slice %arg3[%add3A_122] : memref<640000xi32, #tpu.memory_space<hbm>> -> memref<128xi32, #tpu.memory_space<hbm>>
    tpu.enqueue_dma source(%dma_start3A_124 : memref<128xi32, #tpu.memory_space<hbm>>) target(%arg8 : memref<128xi32, #tpu.memory_space<vmem>>) target_semaphore(%arg22 : memref<!tpu.dma_semaphore, #tpu.memory_space<semaphore_mem>>)
    %dma_wait3A_125 = arith.constant 0 : i32
    %dma_wait3A_126 = arith.constant 0 : i32
    %dma_wait3A_127 = tpu.memref_slice %arg2[%dma_wait3A_125, %dma_wait3A_126] : memref<10000x128xf32, #tpu.memory_space<hbm>> -> memref<10000x128xf32, #tpu.memory_space<hbm>>
    tpu.wait_indirect_dma semaphore(%arg16 : memref<!tpu.dma_semaphore, #tpu.memory_space<semaphore_mem>>) src(%dma_wait3A_127 : memref<10000x128xf32, #tpu.memory_space<hbm>>) dst(%arg10 : memref<128x128xf32, #tpu.memory_space<vmem>>)
    %add3A_128 = arith.constant 320000 : i32
    %add3A_129 = arith.addi %add3A_128, %mul3A_16 : i32
    %add3A_130 = arith.constant 9856 : i32
    %add3A_131 = arith.addi %add3A_129, %add3A_130 : i32
    %dma_wait3A_132 = tpu.memref_slice %arg3[%add3A_131] : memref<640000xi32, #tpu.memory_space<hbm>> -> memref<128xi32, #tpu.memory_space<hbm>>
    %dma_wait3A_133 = tpu.memref_slice %arg3[%add3A_131] : memref<640000xi32, #tpu.memory_space<hbm>> -> memref<128xi32, #tpu.memory_space<hbm>>
    tpu.wait_dma2 semaphore(%arg22 : memref<!tpu.dma_semaphore, #tpu.memory_space<semaphore_mem>>) src(%dma_wait3A_133 : memref<128xi32, #tpu.memory_space<hbm>>) dst(%arg8 : memref<128xi32, #tpu.memory_space<vmem>>)
    %dma_start3A_134 = arith.constant 0 : i32
    %dma_start3A_135 = arith.constant 0 : i32
    %dma_start3A_136 = tpu.memref_slice %arg14[%dma_start3A_134, %dma_start3A_135] : memref<10240x128xf32, #tpu.memory_space<vmem_shared>> -> memref<10240x128xf32, #tpu.memory_space<vmem_shared>>
    tpu.enqueue_indirect_dma source(%arg10 : memref<128x128xf32, #tpu.memory_space<vmem>>) target(%dma_start3A_136 : memref<10240x128xf32, #tpu.memory_space<vmem_shared>>) offsets(%arg8 : memref<128xi32, #tpu.memory_space<vmem>>) semaphore(%arg18 : memref<!tpu.dma_semaphore, #tpu.memory_space<semaphore_mem>>) {add = true}
    %dma_wait3A_137 = arith.constant 0 : i32
    %dma_wait3A_138 = arith.constant 0 : i32
    %dma_wait3A_139 = tpu.memref_slice %arg14[%dma_wait3A_137, %dma_wait3A_138] : memref<10240x128xf32, #tpu.memory_space<vmem_shared>> -> memref<10240x128xf32, #tpu.memory_space<vmem_shared>>
    tpu.wait_indirect_dma semaphore(%arg17 : memref<!tpu.dma_semaphore, #tpu.memory_space<semaphore_mem>>) src(%arg9 : memref<128x128xf32, #tpu.memory_space<vmem>>) dst(%dma_wait3A_139 : memref<10240x128xf32, #tpu.memory_space<vmem_shared>>)
    %dma_wait3A_140 = arith.constant 0 : i32
    %dma_wait3A_141 = arith.constant 0 : i32
    %dma_wait3A_142 = tpu.memref_slice %arg14[%dma_wait3A_140, %dma_wait3A_141] : memref<10240x128xf32, #tpu.memory_space<vmem_shared>> -> memref<10240x128xf32, #tpu.memory_space<vmem_shared>>
    tpu.wait_indirect_dma semaphore(%arg18 : memref<!tpu.dma_semaphore, #tpu.memory_space<semaphore_mem>>) src(%arg10 : memref<128x128xf32, #tpu.memory_space<vmem>>) dst(%dma_wait3A_142 : memref<10240x128xf32, #tpu.memory_space<vmem_shared>>)
    %add3A_143 = arith.constant 9984 : i32
    %add3A_144 = arith.addi %mul3A_16, %add3A_143 : i32
    "tpu.region"() ({
      %run_scoped3A = tpu.sem_alloc : memref<!tpu.dma_semaphore, #tpu.memory_space<semaphore_mem>>
      %dma_start3A_154 = tpu.memref_slice %arg3[%add3A_144] : memref<640000xi32, #tpu.memory_space<hbm>> -> memref<16xi32, #tpu.memory_space<hbm>>
      %dma_start3A_155 = tpu.memref_slice %arg3[%add3A_144] : memref<640000xi32, #tpu.memory_space<hbm>> -> memref<16xi32, #tpu.memory_space<hbm>>
      tpu.enqueue_dma source(%dma_start3A_155 : memref<16xi32, #tpu.memory_space<hbm>>) target(%arg11 : memref<16xi32, #tpu.memory_space<vmem>>) target_semaphore(%run_scoped3A : memref<!tpu.dma_semaphore, #tpu.memory_space<semaphore_mem>>)
      %dma_wait3A_156 = tpu.memref_slice %arg3[%add3A_144] : memref<640000xi32, #tpu.memory_space<hbm>> -> memref<16xi32, #tpu.memory_space<hbm>>
      %dma_wait3A_157 = tpu.memref_slice %arg3[%add3A_144] : memref<640000xi32, #tpu.memory_space<hbm>> -> memref<16xi32, #tpu.memory_space<hbm>>
      tpu.wait_dma2 semaphore(%run_scoped3A : memref<!tpu.dma_semaphore, #tpu.memory_space<semaphore_mem>>) src(%dma_wait3A_157 : memref<16xi32, #tpu.memory_space<hbm>>) dst(%arg11 : memref<16xi32, #tpu.memory_space<vmem>>)
      tpu.yield
    }) : () -> ()
    %add3A_145 = arith.constant 320000 : i32
    %add3A_146 = arith.addi %add3A_145, %add3A_144 : i32
    "tpu.region"() ({
      %run_scoped3A = tpu.sem_alloc : memref<!tpu.dma_semaphore, #tpu.memory_space<semaphore_mem>>
      %dma_start3A_154 = tpu.memref_slice %arg3[%add3A_146] : memref<640000xi32, #tpu.memory_space<hbm>> -> memref<16xi32, #tpu.memory_space<hbm>>
      %dma_start3A_155 = tpu.memref_slice %arg3[%add3A_146] : memref<640000xi32, #tpu.memory_space<hbm>> -> memref<16xi32, #tpu.memory_space<hbm>>
      tpu.enqueue_dma source(%dma_start3A_155 : memref<16xi32, #tpu.memory_space<hbm>>) target(%arg12 : memref<16xi32, #tpu.memory_space<vmem>>) target_semaphore(%run_scoped3A : memref<!tpu.dma_semaphore, #tpu.memory_space<semaphore_mem>>)
      %dma_wait3A_156 = tpu.memref_slice %arg3[%add3A_146] : memref<640000xi32, #tpu.memory_space<hbm>> -> memref<16xi32, #tpu.memory_space<hbm>>
      %dma_wait3A_157 = tpu.memref_slice %arg3[%add3A_146] : memref<640000xi32, #tpu.memory_space<hbm>> -> memref<16xi32, #tpu.memory_space<hbm>>
      tpu.wait_dma2 semaphore(%run_scoped3A : memref<!tpu.dma_semaphore, #tpu.memory_space<semaphore_mem>>) src(%dma_wait3A_157 : memref<16xi32, #tpu.memory_space<hbm>>) dst(%arg12 : memref<16xi32, #tpu.memory_space<vmem>>)
      tpu.yield
    }) : () -> ()
    %dma_start3A_147 = arith.constant 0 : i32
    %dma_start3A_148 = arith.constant 0 : i32
    %dma_start3A_149 = tpu.memref_slice %arg2[%dma_start3A_147, %dma_start3A_148] : memref<10000x128xf32, #tpu.memory_space<hbm>> -> memref<10000x128xf32, #tpu.memory_space<hbm>>
    tpu.enqueue_indirect_dma source(%dma_start3A_149 : memref<10000x128xf32, #tpu.memory_space<hbm>>) target(%arg13 : memref<16x128xf32, #tpu.memory_space<vmem>>) offsets(%arg11 : memref<16xi32, #tpu.memory_space<vmem>>) semaphore(%arg15 : memref<!tpu.dma_semaphore, #tpu.memory_space<semaphore_mem>>)
    %dma_wait3A_150 = arith.constant 0 : i32
    %dma_wait3A_151 = arith.constant 0 : i32
    %dma_wait3A_152 = tpu.memref_slice %arg2[%dma_wait3A_150, %dma_wait3A_151] : memref<10000x128xf32, #tpu.memory_space<hbm>> -> memref<10000x128xf32, #tpu.memory_space<hbm>>
    tpu.wait_indirect_dma semaphore(%arg15 : memref<!tpu.dma_semaphore, #tpu.memory_space<semaphore_mem>>) src(%dma_wait3A_152 : memref<10000x128xf32, #tpu.memory_space<hbm>>) dst(%arg13 : memref<16x128xf32, #tpu.memory_space<vmem>>)
    "tpu.region"() ({
      %run_scoped3A = tpu.sem_alloc : memref<!tpu.dma_semaphore, #tpu.memory_space<semaphore_mem>>
      %dma_start3A_154 = arith.constant 0 : i32
      %dma_start3A_155 = arith.constant 0 : i32
      %dma_start3A_156 = tpu.memref_slice %arg14[%dma_start3A_154, %dma_start3A_155] : memref<10240x128xf32, #tpu.memory_space<vmem_shared>> -> memref<10240x128xf32, #tpu.memory_space<vmem_shared>>
      tpu.enqueue_indirect_dma source(%arg13 : memref<16x128xf32, #tpu.memory_space<vmem>>) target(%dma_start3A_156 : memref<10240x128xf32, #tpu.memory_space<vmem_shared>>) offsets(%arg12 : memref<16xi32, #tpu.memory_space<vmem>>) semaphore(%run_scoped3A : memref<!tpu.dma_semaphore, #tpu.memory_space<semaphore_mem>>) {add = true}
      %dma_wait3A_157 = arith.constant 0 : i32
      %dma_wait3A_158 = arith.constant 0 : i32
      %dma_wait3A_159 = tpu.memref_slice %arg14[%dma_wait3A_157, %dma_wait3A_158] : memref<10240x128xf32, #tpu.memory_space<vmem_shared>> -> memref<10240x128xf32, #tpu.memory_space<vmem_shared>>
      tpu.wait_indirect_dma semaphore(%run_scoped3A : memref<!tpu.dma_semaphore, #tpu.memory_space<semaphore_mem>>) src(%arg13 : memref<16x128xf32, #tpu.memory_space<vmem>>) dst(%dma_wait3A_159 : memref<10240x128xf32, #tpu.memory_space<vmem_shared>>)
      tpu.yield
    }) : () -> ()
    %barrier3A_153 = arith.constant 0 : index
    tpu.barrier barrier_id(%barrier3A_153)
    "tpu.region"() ({
      %run_scoped3A = tpu.sem_alloc : memref<!tpu.dma_semaphore, #tpu.memory_space<semaphore_mem>>
      %dma_start3A_154 = arith.constant 0 : i32
      %dma_start3A_155 = tpu.memref_slice %arg4[%arg0, %mul3A_8, %dma_start3A_154] : memref<2x10240x128xf32, #tpu.memory_space<hbm>> -> memref<1x640x128xf32, #tpu.memory_space<hbm>>
      %dma_start3A_156 = tpu.memref_squeeze %dma_start3A_155 : memref<1x640x128xf32, #tpu.memory_space<hbm>> -> memref<640x128xf32, #tpu.memory_space<hbm>>
      %dma_start3A_157 = arith.constant 0 : i32
      %dma_start3A_158 = tpu.memref_slice %arg14[%mul3A_8, %dma_start3A_157] : memref<10240x128xf32, #tpu.memory_space<vmem_shared>> -> memref<640x128xf32, #tpu.memory_space<vmem_shared>>
      tpu.enqueue_dma source(%dma_start3A_158 : memref<640x128xf32, #tpu.memory_space<vmem_shared>>) target(%dma_start3A_156 : memref<640x128xf32, #tpu.memory_space<hbm>>) target_semaphore(%run_scoped3A : memref<!tpu.dma_semaphore, #tpu.memory_space<semaphore_mem>>)
      %dma_wait3A_159 = arith.constant 0 : i32
      %dma_wait3A_160 = tpu.memref_slice %arg4[%arg0, %mul3A_8, %dma_wait3A_159] : memref<2x10240x128xf32, #tpu.memory_space<hbm>> -> memref<1x640x128xf32, #tpu.memory_space<hbm>>
      %dma_wait3A_161 = tpu.memref_squeeze %dma_wait3A_160 : memref<1x640x128xf32, #tpu.memory_space<hbm>> -> memref<640x128xf32, #tpu.memory_space<hbm>>
      %dma_wait3A_162 = arith.constant 0 : i32
      %dma_wait3A_163 = tpu.memref_slice %arg14[%mul3A_8, %dma_wait3A_162] : memref<10240x128xf32, #tpu.memory_space<vmem_shared>> -> memref<640x128xf32, #tpu.memory_space<vmem_shared>>
      tpu.wait_dma2 semaphore(%run_scoped3A : memref<!tpu.dma_semaphore, #tpu.memory_space<semaphore_mem>>) src(%dma_wait3A_163 : memref<640x128xf32, #tpu.memory_space<vmem_shared>>) dst(%dma_wait3A_161 : memref<640x128xf32, #tpu.memory_space<hbm>>)
      tpu.yield
    }) : () -> ()
    return
  }
}

</mosaic_0001>

<sc_bundles>
// kernel: _sc_scatter.3.cloned.1.call-start
scs
__scs_entry_jumppad:
0x0: {  	(pc) =	sbr.rel $0x88, $3  }
0x1: {  	(tag) =	ssettag $0x0;
	lr =	simm.s32 $0x1  }
0x2: {  	[smem:$0x3F9F] =	sst lr;
	_ =	strace $0xD0000000  }
0x3: {  	_ = 	snop  }
0x4: {  	_ = 	snop  }
0x5: {  	_ = 	snop  }
0x6: {  	_ = 	snop  }
0x7: {  	_ = 	snop  }
__scs_overlays_trampoline_lowered:
0x8: {  	[smem:$0x3FAE] =	sst s0  }
0x9: {  	[smem:$0x3FAF] =	sst s1  }
0xa: {  	[smem:$0x3FB0] =	sst s2  }
0xb: {  	[smem:$0x3FB1] =	sst s3  }
0xc: {  	[smem:$0x3FB2] =	sst s4  }
0xd: {  	[smem:$0x3FB3] =	sst s5  }
0xe: {  	[smem:$0x3FB4] =	sst s6  }
0xf: {  	[smem:$0x3FB5] =	sst s7  }
0x10: {  	[smem:$0x3FB6] =	sst s8  }
0x11: {  	[smem:$0x3FB7] =	sst s9;
	s0 =	simm.s32 @!p0 $0x0  }
0x12: {  	s1 =	sld [smem:$0x3F9D];
	s0 =	simm.s32 @p0 $0x1  }
0x13: {  	[smem:$0x3FB8] =	sst s0;
	s0 =	simm.s32 @!p1 $0x0  }
0x14: {  	s2 =	sld [smem:$0x3F9C];
	s0 =	simm.s32 @p1 $0x1  }
0x15: {  	[smem:$0x3FB9] =	sst s0;
	s0 =	simm.s32 @!p2 $0x0  }
0x16: {  	s3 =	sld [smem:$0x3FDB];
	s0 =	simm.s32 @p2 $0x1  }
0x17: {  	s4 =	simm.s32 $0x1BF5;
	[smem:$0x3FBB] =	sst s0  }
0x18: {  	s0 =	sld [smem:$0x3F9E];
	_ =	swait.ge [sflag:s4], $0x0  }
0x19: {  	s7 =	sld [smem:$0x3F9F]  }
0x1a: {  	s8 =	sadd.s32 $0xFFFFE003, lr  }
0x1b: {  	s9 =	sadd.s32 $0xFFFFFEF7, lr;
	s5 =	simm.s32 $0xFFFFFFFF;
	p2 =	slt.u32 s8, $0xFFFFF086  }
0x1c: {  	p1 =	slt.u32 s9, $0xF7A;
	s5 =	simm.s32 @!p2 $0x0  }
0x1d: {  	s5 =	simm.s32 @p1 $0x1;
	p0 =	seq.s32 s7, s2  }
0x1e: {  	s7 =	smul.u32 @!p0 $0xF7A, s2;
	p2 =	seq.s32 @!p0 s5, $0x0  }
0x1f: {  	s9 =	smul.u32 $0xF7A, s1;
	s8 =	simm.s32 @!p0 $0x1BF5;
	p2 =	por !p2, p0  }
0x20: {  	[sflag:s8] =	ssyncset.s32 @!p0 $0xFFFFF086;
	s6 =	sadd.s32 @!p0 s3, s7;
	s7 =	simm.s32 @!p0 $0x108  }
0x21: {  	s3 =	sadd.s32 s3, s9;
	s6 =	sadd.s32 @!p0 $0x88, s6;
	s7 =	simm.s32 @p2 $0x1082  }
0x22: {  	[simem:s7], [sflag:s8] =	dma.local @!p0 [hbm:s6], $0xF7A  }
0x23: {  	s9 =	sor.u32 $0xD0000000, s2;
	s6 =	simm.s32 $0x108;
	_ =	swait.ge @!p0 [sflag:s8], $0x0  }
0x24: {  	s3 =	sadd.s32 $0x88, s3;
	s6 =	simm.s32 @!p1 $0x1082;
	[sflag:s4] =	ssyncset.s32 $0xFFFFF086  }
0x25: {  	[simem:s6], [sflag:s4] =	dma.local [hbm:s3], $0xF7A  }
0x26: {  	[smem:$0x3F9F] =	sst s1;
	(tag) =	ssettag s2;
	_ =	strace s9  }
0x27: {  	s1 =	sld [smem:$0x3FAF]  }
0x28: {  	s2 =	sld [smem:$0x3FB0]  }
0x29: {  	s4 =	sld [smem:$0x3FB2]  }
0x2a: {  	p0 =	seq.s32 s5, $0x0;
	s5 =	sld [smem:$0x3FB3]  }
0x2b: {  	s6 =	sld [smem:$0x3FB4]  }
0x2c: {  	s7 =	sld [smem:$0x3FB5]  }
0x2d: {  	s3 =	simm.s32 $0x108;
	s8 =	sld [smem:$0x3FB6]  }
0x2e: {  	s3 =	simm.s32 @!p0 $0x1082;
	s9 =	sld [smem:$0x3FB7]  }
0x2f: {  	lr =	sadd.s32 s0, s3;
	s0 =	sld [smem:$0x3FAE]  }
0x30: {  	s3 =	sld [smem:$0x3FB1]  }
0x31: {  	[smem:$0x3FBA] =	sst s10  }
0x32: {  	s10 =	sld [smem:$0x3FB8];
	_ =	sdelay $0x3  }
0x33: {  	p0 =	seq.s32 s10, $0x1;
	s10 =	sld [smem:$0x3FBA];
	_ =	sdelay $0x3  }
0x34: {  	[smem:$0x3FBA] =	sst s10  }
0x35: {  	s10 =	sld [smem:$0x3FB9];
	_ =	sdelay $0x3  }
0x36: {  	p1 =	seq.s32 s10, $0x1;
	s10 =	sld [smem:$0x3FBA];
	_ =	sdelay $0x3  }
0x37: {  	[smem:$0x3FBA] =	sst s10  }
0x38: {  	s10 =	sld [smem:$0x3FBB]  }
0x39: {  	_ = 	snop;
	(pc) =	sbr.ind lr, $3  }
0x3a: {  	_ = 	snop  }
0x3b: {  	_ = 	snop  }
0x3c: {  	p2 =	seq.s32 s10, $0x1;
	s10 =	sld [smem:$0x3FBA]  }
0x3d: {  	_ =	shalt  }
0x3e: {  	_ =	shalt  }
0x3f: {  	_ =	shalt  }
0x40: {  	_ =	shalt  }
0x41: {  	_ =	shalt  }
0x42: {  	_ =	shalt  }
0x43: {  	_ =	shalt  }
0x44: {  	_ =	shalt  }
0x45: {  	_ =	shalt  }
0x46: {  	_ =	shalt  }
0x47: {  	_ =	shalt  }
0x48: {  	_ =	shalt  }
0x49: {  	_ =	shalt  }
0x4a: {  	_ =	shalt  }
0x4b: {  	_ =	shalt  }
0x4c: {  	_ =	shalt  }
0x4d: {  	_ =	shalt  }
0x4e: {  	_ =	shalt  }
0x4f: {  	_ =	shalt  }
0x50: {  	_ =	shalt  }
0x51: {  	_ =	shalt  }
0x52: {  	_ =	shalt  }
0x53: {  	_ =	shalt  }
0x54: {  	_ =	shalt  }
0x55: {  	_ =	shalt  }
0x56: {  	_ =	shalt  }
0x57: {  	_ =	shalt  }
0x58: {  	_ =	shalt  }
0x59: {  	_ =	shalt  }
0x5a: {  	_ =	shalt  }
0x5b: {  	_ =	shalt  }
0x5c: {  	_ =	shalt  }
0x5d: {  	_ =	shalt  }
0x5e: {  	_ =	shalt  }
0x5f: {  	_ =	shalt  }
0x60: {  	_ =	shalt  }
0x61: {  	_ =	shalt  }
0x62: {  	_ =	shalt  }
0x63: {  	_ =	shalt  }
0x64: {  	_ =	shalt  }
0x65: {  	_ =	shalt  }
0x66: {  	_ =	shalt  }
0x67: {  	_ =	shalt  }
0x68: {  	_ =	shalt  }
0x69: {  	_ =	shalt  }
0x6a: {  	_ =	shalt  }
0x6b: {  	_ =	shalt  }
0x6c: {  	_ =	shalt  }
0x6d: {  	_ =	shalt  }
0x6e: {  	_ =	shalt  }
0x6f: {  	_ =	shalt  }
0x70: {  	_ =	shalt  }
0x71: {  	_ =	shalt  }
0x72: {  	_ =	shalt  }
0x73: {  	_ =	shalt  }
0x74: {  	_ =	shalt  }
0x75: {  	_ =	shalt  }
0x76: {  	_ =	shalt  }
0x77: {  	_ =	shalt  }
0x78: {  	_ =	shalt  }
0x79: {  	_ =	shalt  }
0x7a: {  	_ =	shalt  }
0x7b: {  	_ =	shalt  }
0x7c: {  	_ =	shalt  }
0x7d: {  	_ =	shalt  }
0x7e: {  	_ =	shalt  }
0x7f: {  	_ =	shalt  }
0x80: {  	_ =	shalt  }
0x81: {  	_ =	shalt  }
0x82: {  	_ =	shalt  }
0x83: {  	_ =	shalt  }
0x84: {  	_ =	shalt  }
0x85: {  	_ =	shalt  }
0x86: {  	_ =	shalt  }
0x87: {  	_ =	shalt  }
.Lfunc_end0:
.L_simem_size_0:
called_computation_lowered:
.L_overlay_start_0:
0x88: {  	s2 =	sld [smem:$0x3FD9]  }
0x89: {  	s3 =	sld [smem:$0x3FFE];
	_ =	sdelay $0x1  }
0x8a: {  	s1 =	srdreg.scid  }
0x8b: {  	s0 =	sand.u32 $0x1, s1  }
0x8c: {  	s18 =	sshll.u32 s0, $0xA;
	s2 =	sadd.s32 s3, s2  }
0x8d: {  	s2 =	sadd.s32 s2, s18  }
0x8e: {  	[smem:$0x3FC6] =	sst s2  }
0x8f: {  	_ = 	snop  }
0x90: {  	s2 =	sld [smem:$0x3FC9]  }
0x91: {  	s19 =	sld [smem:$0x3FC8]  }
0x92: {  	s4 =	sld [smem:$0x3FD0];
	(tm) =	ssettm $0x1  }
0x93: {  	s5 =	sld [smem:$0x3FFB];
	_ =	sdelay $0x3  }
0x94: {  	_ =	strace s5  }
0x95: {  	s5 =	sld [smem:$0x3FFC];
	_ =	sdelay $0x3  }
0x96: {  	_ =	strace s5  }
0x97: {  	s5 =	sld [smem:$0x3FFD];
	_ =	sdelay $0x3  }
0x98: {  	_ =	strace s5  }
0x99: {  	_ =	strace $0x8FFFFFFF  }
0x9a: {  	s20 =	sld [smem:$0x3FDB];
	_ =	sdelay $0x1  }
0x9b: {  	s6 =	simm.s32 $_scs_section_size  }
0x9c: {  	s7 =	simm.s32 $_size__tile_overlayer_lowered;
	s8 =	simm.s32 $_tile_overlayer_lowered  }
0x9d: {  	s23 =	simm.s32 $0x1BFF;
	s22 =	sshll.u32 s8, $0x1;
	s5 =	sadd.s32 s6, s20  }
0x9e: {  	s9 =	simm.s32 $0x0;
	s21 =	sshll.u32 s7, $0x1;
	s7 =	sadd.s32 s22, s5  }
0x9f: {  	[timem:s9], [sflag:s23] =	dma.local [hbm:s7], s21  }
0xa0: {  	_ =	swait.ge [sflag:s23], s21  }
0xa1: {  	s6 =	ssub.s32 $0x0, s21;
	[sflag:s23] =	ssyncset.done $0x0  }
0xa2: {  	[sflag:s23] =	ssyncadd.s32 s6;
	_ =	sdelay $0x1  }
0xa3: {  	s24 =	simm.s32 $0x1B8B  }
0xa4: {  	_ =	swait.ge [sflag:s24], $0x1  }
0xa5: {  	[sflag:s24] =	ssyncset.done $0x0  }
0xa6: {  	s25 =	simm.s32 $0x1B8E;
	[sflag:s24] =	ssyncadd.s32 $0xFFFFFFFF  }
0xa7: {  	s26 =	simm.s32 $execute0_lowered;
	[smem:$0x3FD2] =	sst s25  }
0xa8: {  	s6 =	sshll.u32 s26, $0x1;
	_ =	strace $0x80000046;
	[dreg:$0x1] =	wrdreg $0xFFFFFFFF  }
0xa9: {  	s28 =	simm.s32 $_size_execute0_lowered;
	s5 =	sadd.s32 s5, s6;
	[dreg:$0x0] =	wrdreg $0x0  }
0xaa: {  	s6 =	sshll.u32 s28, $0x1;
	[dreg:$0x2] =	wrdreg s5  }
0xab: {  	[dreg:$0x3] =	wrdreg s6  }
0xac: {  	[dreg:$0x4] =	wrdreg $0xC0  }
0xad: {  	_ =	task [dreg:s9], $0x5FFFF  }
0xae: {  	[dreg:$0x1] =	wrdreg $0xFFFFFFFF  }
0xaf: {  	[dreg:$0x0] =	wrdreg $0x60  }
0xb0: {  	[dreg:$0x2] =	wrdreg s2  }
0xb1: {  	[dreg:$0x3] =	wrdreg s19  }
0xb2: {  	[dreg:$0x4] =	wrdreg s4  }
0xb3: {  	[dreg:$0x5] =	wrdreg $0x8B000  }
0xb4: {  	[dreg:$0x6] =	wrdreg $0x9  }
0xb5: {  	_ =	task.clear_ibuf [dreg:s9], $0x7FFFF;
	_ =	strace $0x90000046  }
0xb6: {  	s29 =	simm.s32 $0x9;
	_ =	strace $0x80000048  }
0xb7: {  	_ =	swait.ge [sflag:s29], $0x1  }
0xb8: {  	[sflag:s29] =	ssyncadd.s32 $0xFFFFFFFF  }
0xb9: {  	_ =	strace $0x90000048  }
0xba: {  	_ =	sfence  }
0xbb: {  	s30 =	sld [smem:$0x0];
	_ =	sdelay $0x2  }
0xbc: {  	s31 =	sshll.u32 s1, $0xD;
	s1 =	sshrl.u32 s1, $0x2  }
0xbd: {  	s3 =	sand.u32 $0x4000, s31;
	s1 =	sadd.s32 s1, s30  }
0xbe: {  	s0 =	sor.u32 s3, s0;
	s1 =	sshll.u32 s1, $0x11  }
0xbf: {  	s0 =	sor.u32 s1, s0  }
0xc0: {  	s0 =	sadd.s32 $0x8F2B, s0  }
0xc1: {  	[sflag:s0] =	ssyncadd.remote.s32 $0x1  }
0xc2: {  	_ =	sfence.sel $0xFFFF  }
0xc3: {  	[dreg:$0x0] =	wrdreg $0xFFFFFFFF;
	(pc) =	sbr.abs _section_cstart, $3  }
0xc4: {  	[dreg:$0x1] =	wrdreg $0xFFFFFFFF  }
0xc5: {  	_ =	task.clear_ibuf [dreg:s9], $0x2FFFF;
	_ =	strace $0x9FFFFFFF  }
0xc6: {  	(tm) =	ssettm $0x7FFFFFFF  }
0xc7: {  	_ =	shalt  }
tec
execute0_lowered:
.L_overlay_start_1:
0x0: {  	(tag) =	ssettag $0x1  }
0x1: {  	s0 =	rddreg [dreg:$0x0]  }
0x2: {  	s1 =	srdreg.scid;
	s2 =	rddreg [dreg:$0x1]  }
0x3: {  	s7 =	rddreg [dreg:$0x2];
	s11 =	stileid.u32  }
0x4: {  	s3 =	rddreg [dreg:$0x3];
	s28 =	simm.s32 $0x9;
	s8 =	smul.u32 $0x50000, s11  }
0x5: {  	s29 =	simm.s32 $0x80;
	s30 =	simm.s32 $0x100;
	s26 =	smul.u32 $0x14000, s11  }
0x6: {  	s31 =	simm.s32 $0x1;
	s1 =	sand.u32 $0x1, s1;
	s15 =	smul.u32 $0x2710, s11  }
0x7: {  	s4 =	sshll.u32 s1, $0x4;
	s6 =	ssub.s32 $0x2, s1;
	s24 =	smul.u32 $0x140000, s1  }
0x8: {  	s1 =	smul.u32 $0x27100, s1;
	s5 =	sor.u32 s11, s4;
	s4 =	simm.s32 $0x0  }
0x9: {  	s9 =	sshrl.u32 s6, $0x1;
	s22 =	sshrl.u32 s8, $0x2;
	s11 =	simm.s32 $0x3  }
0xa: {  	s5 =	smul.u32 $0x2710, s5;
	[smem:$0x7FF] =	sst s4;
	s9 =	ssub.s32 s6, s9  }
0xb: {  	s6 =	sadd.s32 s22, s3;
	s8 =	sadd.s32 s26, s24;
	s19 =	smax.u32 s9, $0x1  }
0xc: {  	_ =	strace $0x80000047;
	s20 =	sadd.s32 $0x4000, s6;
	[dreg:$0xf] =	wrdreg s19  }
0xd: {  	s8 =	sshrl.u32 s8, $0x3;
	s22 =	sadd.s32 $0x8000, s6;
	[dreg:$0x10] =	wrdreg s20  }
0xe: {  	s26 =	sadd.s32 $0x10000, s6;
	s5 =	sshrl.u32 s5, $0x3;
	[dreg:$0x11] =	wrdreg s22  }
0xf: {  	s7 =	sadd.s32 s7, s8;
	[dreg:$0x13] =	wrdreg s26;
	s5 =	sadd.s32 s2, s5  }
0x10: {  	s1 =	sadd.s32 s15, s1;
	[dreg:$0xe] =	wrdreg s7;
	s23 =	sadd.s32 $0x9C40, s5  }
0x11: {  	s15 =	simm.s32 $0x8280;
	s10 =	sadd.s32 $0x10, s5;
	[dreg:$0x5] =	wrdreg s23  }
0x12: {  	s21 =	sadd.s32 $0x200, s1;
	s25 =	sadd.s32 $0x9C50, s5;
	[dreg:$0x6] =	wrdreg s10  }
0x13: {  	s24 =	sadd.s32 $0x4E300, s1;
	s12 =	sadd.s32 $0x20, s5;
	[dreg:$0x7] =	wrdreg s25  }
0x14: {  	s9 =	simm.s32 $0x2;
	s13 =	sadd.s32 $0xA100, s5;
	[dreg:$0x8] =	wrdreg s12  }
0x15: {  	s26 =	simm.s32 $0x200;
	s14 =	sadd.s32 $0x4D0, s5;
	[dreg:$0x9] =	wrdreg s13  }
0x16: {  	s7 =	sshrl.u32 s21, $0x3;
	s16 =	sadd.s32 $0xA110, s5;
	[dreg:$0xa] =	wrdreg s14  }
0x17: {  	s17 =	sadd.s32 $0x4E0, s5;
	s18 =	sadd.s32 $0xA120, s5;
	[dreg:$0xb] =	wrdreg s16  }
0x18: {  	s21 =	sadd.s32 s7, s2;
	s7 =	sshrl.u32 s24, $0x3;
	[dreg:$0xc] =	wrdreg s17  }
0x19: {  	[dreg:$0xd] =	wrdreg s18;
	s23 =	sadd.s32 $0xC000, s6;
	s25 =	sadd.s32 $0x4E380, s1  }
0x1a: {  	s1 =	sadd.s32 $0x180, s1;
	s22 =	sadd.s32 s7, s2;
	s7 =	simm.s32 $0x4200  }
0x1b: {  	s10 =	simm.s32 $0x8;
	s12 =	simm.s32 $0x5;
	s13 =	simm.s32 $0x4  }
0x1c: {  	s14 =	simm.s32 $0x8200;
	s16 =	simm.s32 $0x10;
	s17 =	simm.s32 $0x8300  }
0x1d: {  	s18 =	simm.s32 $0x0;
	s8 =	sshrl.u32 s25, $0x3;
	s1 =	sshrl.u32 s1, $0x3  }
0x1e: {  	[dreg:$0x12] =	wrdreg s23;
	s23 =	sadd.s32 s8, s2;
	s24 =	sadd.s32 s1, s2  }
0x1f: {  	v0 =	vimm.f32 $0.0e+00;
	s2 =	simm.s32 $0x7;
	s1 =	simm.s32 $0x6;
	s8 =	simm.s32 $0x180  }
.LBB2_1:
0x20: {  	s19 =	simm.s32 $0x0;
	s20 =	simm.s32 $0x200  }
.LBB2_2:
0x21: {  	p0 =	sne.s32 s20, $0xFE00;
	[tilespmem:s19+$0x270] =	vst v0  }
0x22: {  	[tilespmem:s19+$0x200] =	vst v0  }
0x23: {  	[tilespmem:s19+$0x210] =	vst v0  }
.Ltmp0:
0x24: {  	[tilespmem:s19+$0x220] =	vst v0;
	(pc) =	sbr.rel @p0 .LBB2_2-.Ltmp0, $4  }
0x25: {  	[tilespmem:s19+$0x230] =	vst v0  }
0x26: {  	[tilespmem:s19+$0x240] =	vst v0  }
0x27: {  	[tilespmem:s19+$0x250] =	vst v0  }
0x28: {  	[tilespmem:s19+$0x260] =	vst v0;
	s19 =	sshra.s32 s20, $0x2;
	s20 =	sadd.s32 $0x200, s20  }
0x29: {  	[tilespmem:s19+$0x270] =	vst v0  }
0x2a: {  	[tilespmem:s19+$0x200] =	vst v0  }
0x2b: {  	[tilespmem:s19+$0x210] =	vst v0  }
0x2c: {  	[tilespmem:s19+$0x220] =	vst v0  }
0x2d: {  	[tilespmem:s19+$0x230] =	vst v0  }
0x2e: {  	[tilespmem:s19+$0x240] =	vst v0  }
0x2f: {  	[tilespmem:s19+$0x250] =	vst v0  }
0x30: {  	[tilespmem:s19+$0x260] =	vst v0  }
0x31: {  	[spmem:s6] =	stream.linear.scatter [tilespmem:s26], [sflag:$0x9], $0x4000, $0x38;
	[tilespmem:$0x1CB00] =	vst v63  }
0x32: {  	_ =	swait.ge [sflag:s28], $0x4000  }
0x33: {  	[sflag:s28] =	ssyncset.done $0x0  }
0x34: {  	s25 =	rddreg [dreg:$0x10];
	[sflag:s28] =	ssyncadd.s32 $0xFFFFC000  }
0x35: {  	[spmem:s25] =	stream.linear.scatter [tilespmem:s26], [sflag:$0x9], $0x4000, $0x38;
	[tilespmem:$0x1CB00] =	vst v63  }
0x36: {  	_ =	swait.ge [sflag:s28], $0x4000  }
0x37: {  	[sflag:s28] =	ssyncset.done $0x0  }
0x38: {  	s20 =	rddreg [dreg:$0x11];
	[sflag:s28] =	ssyncadd.s32 $0xFFFFC000  }
0x39: {  	[spmem:s20] =	stream.linear.scatter [tilespmem:s26], [sflag:$0x9], $0x4000, $0x38;
	[tilespmem:$0x1CB00] =	vst v63  }
0x3a: {  	_ =	swait.ge [sflag:s28], $0x4000  }
0x3b: {  	[sflag:s28] =	ssyncset.done $0x0  }
0x3c: {  	s25 =	rddreg [dreg:$0x12];
	[sflag:s28] =	ssyncadd.s32 $0xFFFFC000  }
0x3d: {  	[spmem:s25] =	stream.linear.scatter [tilespmem:s26], [sflag:$0x9], $0x4000, $0x38;
	[tilespmem:$0x1CB00] =	vst v63  }
0x3e: {  	_ =	swait.ge [sflag:s28], $0x4000  }
0x3f: {  	[sflag:s28] =	ssyncset.done $0x0  }
0x40: {  	s20 =	rddreg [dreg:$0x13];
	[sflag:s28] =	ssyncadd.s32 $0xFFFFC000  }
0x41: {  	[spmem:s20] =	stream.linear.scatter [tilespmem:s26], [sflag:$0x9], $0x4000, $0x38;
	[tilespmem:$0x1CB00] =	vst v63  }
0x42: {  	_ =	swait.ge [sflag:s28], $0x4000  }
0x43: {  	[sflag:s28] =	ssyncset.done $0x0  }
0x44: {  	s19 =	simm.s32 $0x0;
	[sflag:s28] =	ssyncadd.s32 $0xFFFFC000  }
0x45: {  	[tilespmem:s19], [sflag:$0x9] =	stream.linear.gather [hbm4b:s5+s19], $0x80, $0x38;
	[tilespmem:$0x1CB00] =	vst v63  }
0x46: {  	_ =	swait.ge [sflag:s28], $0x80  }
0x47: {  	[sflag:s28] =	ssyncset.done $0x0  }
0x48: {  	[sflag:s28] =	ssyncadd.s32 $0xFFFFFF80  }
0x49: {  	[bflag:$0x0] =	sbarrier.arrive $0xFFFF  }
0x4a: {  	[tilespmem:s26], [sflag:$0x1] =	stream.indirect.gather [hbm4b:s0+s29], $0x80, s19, s29, $0xb8;
	[tilespmem:$0x1CB00] =	vst v63  }
0x4b: {  	s20 =	rddreg [dreg:$0x5]  }
0x4c: {  	[tilespmem:s30], [sflag:$0x7] =	stream.linear.gather [hbm4b:s20+s19], $0x80, $0x38;
	[tilespmem:$0x1CB00] =	vst v63  }
0x4d: {  	s25 =	rddreg [dreg:$0x6]  }
0x4e: {  	[tilespmem:s29], [sflag:$0x6] =	stream.linear.gather [hbm4b:s25+s19], $0x80, $0x38;
	[tilespmem:$0x1CB00] =	vst v63  }
0x4f: {  	_ =	swait.ge [sflag:s31], $0x4000  }
0x50: {  	[sflag:s31] =	ssyncset.done $0x0  }
0x51: {  	[sflag:s31] =	ssyncadd.s32 $0xFFFFC000  }
0x52: {  	_ =	swait.ge [sflag:s2], $0x80  }
0x53: {  	[sflag:s2] =	ssyncset.done $0x0  }
0x54: {  	[sflag:s2] =	ssyncadd.s32 $0xFFFFFF80  }
0x55: {  	[spmem:s3] =	stream.indirect.scatter.add.f32 [tilespmem:s26], [sflag:$0x3], $0x80, s30, s29, $0xb8;
	[tilespmem:$0x1CB00] =	vst v63  }
0x56: {  	_ =	swait.ge [sflag:s1], $0x80  }
0x57: {  	[sflag:s1] =	ssyncset.done $0x0  }
0x58: {  	[sflag:s1] =	ssyncadd.s32 $0xFFFFFF80  }
0x59: {  	[tilespmem:s7], [sflag:$0x2] =	stream.indirect.gather [hbm4b:s0+s29], $0x80, s29, s29, $0xb8;
	[tilespmem:$0x1CB00] =	vst v63  }
0x5a: {  	s25 =	rddreg [dreg:$0x7]  }
0x5b: {  	[tilespmem:s8], [sflag:$0x8] =	stream.linear.gather [hbm4b:s25+s19], $0x80, $0x38;
	[tilespmem:$0x1CB00] =	vst v63  }
0x5c: {  	s25 =	rddreg [dreg:$0x8]  }
0x5d: {  	[tilespmem:s19], [sflag:$0x5] =	stream.linear.gather [hbm4b:s25+s19], $0x80, $0x38;
	[tilespmem:$0x1CB00] =	vst v63  }
0x5e: {  	_ =	swait.ge [sflag:s9], $0x4000  }
0x5f: {  	[sflag:s9] =	ssyncset.done $0x0  }
0x60: {  	[sflag:s9] =	ssyncadd.s32 $0xFFFFC000  }
0x61: {  	_ =	swait.ge [sflag:s10], $0x80  }
0x62: {  	[sflag:s10] =	ssyncset.done $0x0  }
0x63: {  	[sflag:s10] =	ssyncadd.s32 $0xFFFFFF80  }
0x64: {  	[spmem:s3] =	stream.indirect.scatter.add.f32 [tilespmem:s7], [sflag:$0x4], $0x80, s8, s29, $0xb8;
	[tilespmem:$0x1CB00] =	vst v63  }
0x65: {  	_ =	swait.ge [sflag:s11], $0x4000  }
0x66: {  	[sflag:s11] =	ssyncset.done $0x0  }
0x67: {  	[sflag:s11] =	ssyncadd.s32 $0xFFFFC000  }
0x68: {  	_ =	swait.ge [sflag:s12], $0x80  }
0x69: {  	[sflag:s12] =	ssyncset.done $0x0  }
0x6a: {  	[sflag:s12] =	ssyncadd.s32 $0xFFFFFF80  }
0x6b: {  	[tilespmem:s26], [sflag:$0x1] =	stream.indirect.gather [hbm4b:s0+s29], $0x80, s4, s29, $0xb8;
	[tilespmem:$0x1CB00] =	vst v63  }
0x6c: {  	s25 =	sadd.s32 $0x0, s22  }
0x6d: {  	[tilespmem:s30], [sflag:$0x7] =	stream.linear.gather [hbm4b:s25+s4], $0x80, $0x38;
	[tilespmem:$0x1CB00] =	vst v63  }
0x6e: {  	s20 =	sadd.s32 $0x0, s24  }
0x6f: {  	[tilespmem:s29], [sflag:$0x6] =	stream.linear.gather [hbm4b:s20+s4], $0x80, $0x38;
	[tilespmem:$0x1CB00] =	vst v63  }
0x70: {  	_ =	swait.ge [sflag:s31], $0x4000  }
0x71: {  	[sflag:s31] =	ssyncset.done $0x0  }
0x72: {  	[sflag:s31] =	ssyncadd.s32 $0xFFFFC000  }
0x73: {  	_ =	swait.ge [sflag:s2], $0x80  }
0x74: {  	[sflag:s2] =	ssyncset.done $0x0  }
0x75: {  	[sflag:s2] =	ssyncadd.s32 $0xFFFFFF80  }
0x76: {  	[spmem:s3] =	stream.indirect.scatter.add.f32 [tilespmem:s26], [sflag:$0x3], $0x80, s30, s29, $0xb8;
	[tilespmem:$0x1CB00] =	vst v63  }
0x77: {  	_ =	swait.ge [sflag:s13], $0x4000  }
0x78: {  	[sflag:s13] =	ssyncset.done $0x0  }
0x79: {  	[sflag:s13] =	ssyncadd.s32 $0xFFFFC000  }
0x7a: {  	_ =	swait.ge [sflag:s1], $0x80  }
0x7b: {  	[sflag:s1] =	ssyncset.done $0x0  }
0x7c: {  	[sflag:s1] =	ssyncadd.s32 $0xFFFFFF80  }
0x7d: {  	[tilespmem:s7], [sflag:$0x2] =	stream.indirect.gather [hbm4b:s0+s29], $0x80, s29, s29, $0xb8;
	[tilespmem:$0x1CB00] =	vst v63  }
0x7e: {  	s19 =	simm.s32 $0x20;
	s25 =	sadd.s32 $0x0, s23;
	s20 =	sadd.s32 $0x0, s21  }
0x7f: {  	[tilespmem:s8], [sflag:$0x8] =	stream.linear.gather [hbm4b:s25+s4], $0x80, $0x38;
	[tilespmem:$0x1CB00] =	vst v63  }
.LBB2_4:
0x80: {  	[tilespmem:s4], [sflag:$0x5] =	stream.linear.gather [hbm4b:s20+s4], $0x80, $0x38;
	[tilespmem:$0x1CB00] =	vst v63  }
0x81: {  	s20 =	smov.u32 s19  }
0x82: {  	p0 =	sne.s32 s19, $0x480;
	s19 =	sadd.s32 $0x20, s19;
	_ =	swait.ge [sflag:s9], $0x4000  }
0x83: {  	[sflag:s9] =	ssyncset.done $0x0  }
0x84: {  	[sflag:s9] =	ssyncadd.s32 $0xFFFFC000  }
0x85: {  	_ =	swait.ge [sflag:s10], $0x80  }
0x86: {  	[sflag:s10] =	ssyncset.done $0x0  }
0x87: {  	[sflag:s10] =	ssyncadd.s32 $0xFFFFFF80  }
0x88: {  	[spmem:s3] =	stream.indirect.scatter.add.f32 [tilespmem:s7], [sflag:$0x4], $0x80, s8, s29, $0xb8;
	[tilespmem:$0x1CB00] =	vst v63  }
0x89: {  	_ =	swait.ge [sflag:s11], $0x4000  }
0x8a: {  	[sflag:s11] =	ssyncset.done $0x0  }
0x8b: {  	[sflag:s11] =	ssyncadd.s32 $0xFFFFC000  }
0x8c: {  	_ =	swait.ge [sflag:s12], $0x80  }
0x8d: {  	[sflag:s12] =	ssyncset.done $0x0  }
0x8e: {  	[sflag:s12] =	ssyncadd.s32 $0xFFFFFF80  }
0x8f: {  	[tilespmem:s26], [sflag:$0x1] =	stream.indirect.gather [hbm4b:s0+s29], $0x80, s4, s29, $0xb8;
	[tilespmem:$0x1CB00] =	vst v63  }
0x90: {  	s25 =	sadd.s32 s20, s22  }
0x91: {  	[tilespmem:s30], [sflag:$0x7] =	stream.linear.gather [hbm4b:s25+s4], $0x80, $0x38;
	[tilespmem:$0x1CB00] =	vst v63  }
0x92: {  	s25 =	sadd.s32 s20, s24  }
0x93: {  	[tilespmem:s29], [sflag:$0x6] =	stream.linear.gather [hbm4b:s25+s4], $0x80, $0x38;
	[tilespmem:$0x1CB00] =	vst v63  }
0x94: {  	_ =	swait.ge [sflag:s31], $0x4000  }
0x95: {  	[sflag:s31] =	ssyncset.done $0x0  }
0x96: {  	[sflag:s31] =	ssyncadd.s32 $0xFFFFC000  }
0x97: {  	_ =	swait.ge [sflag:s2], $0x80  }
0x98: {  	[sflag:s2] =	ssyncset.done $0x0  }
0x99: {  	[sflag:s2] =	ssyncadd.s32 $0xFFFFFF80  }
0x9a: {  	[spmem:s3] =	stream.indirect.scatter.add.f32 [tilespmem:s26], [sflag:$0x3], $0x80, s30, s29, $0xb8;
	[tilespmem:$0x1CB00] =	vst v63  }
0x9b: {  	_ =	swait.ge [sflag:s13], $0x4000  }
0x9c: {  	[sflag:s13] =	ssyncset.done $0x0  }
0x9d: {  	[sflag:s13] =	ssyncadd.s32 $0xFFFFC000  }
0x9e: {  	_ =	swait.ge [sflag:s1], $0x80  }
0x9f: {  	[sflag:s1] =	ssyncset.done $0x0  }
.Ltmp1:
0xa0: {  	[sflag:s1] =	ssyncadd.s32 $0xFFFFFF80;
	(pc) =	sbr.rel @p0 .LBB2_4-.Ltmp1, $4  }
0xa1: {  	[tilespmem:s7], [sflag:$0x2] =	stream.indirect.gather [hbm4b:s0+s29], $0x80, s29, s29, $0xb8;
	[tilespmem:$0x1CB00] =	vst v63  }
0xa2: {  	s25 =	sadd.s32 s20, s23  }
0xa3: {  	[tilespmem:s8], [sflag:$0x8] =	stream.linear.gather [hbm4b:s25+s4], $0x80, $0x38;
	[tilespmem:$0x1CB00] =	vst v63  }
0xa4: {  	s20 =	sadd.s32 s20, s21  }
0xa5: {  	[tilespmem:s4], [sflag:$0x5] =	stream.linear.gather [hbm4b:s20+s4], $0x80, $0x38;
	[tilespmem:$0x1CB00] =	vst v63  }
0xa6: {  	_ =	swait.ge [sflag:s9], $0x4000  }
0xa7: {  	[sflag:s9] =	ssyncset.done $0x0  }
0xa8: {  	[sflag:s9] =	ssyncadd.s32 $0xFFFFC000  }
0xa9: {  	_ =	swait.ge [sflag:s10], $0x80  }
0xaa: {  	[sflag:s10] =	ssyncset.done $0x0  }
0xab: {  	[sflag:s10] =	ssyncadd.s32 $0xFFFFFF80  }
0xac: {  	[spmem:s3] =	stream.indirect.scatter.add.f32 [tilespmem:s7], [sflag:$0x4], $0x80, s8, s29, $0xb8;
	[tilespmem:$0x1CB00] =	vst v63  }
0xad: {  	_ =	swait.ge [sflag:s11], $0x4000  }
0xae: {  	[sflag:s11] =	ssyncset.done $0x0  }
0xaf: {  	[sflag:s11] =	ssyncadd.s32 $0xFFFFC000  }
0xb0: {  	_ =	swait.ge [sflag:s12], $0x80  }
0xb1: {  	[sflag:s12] =	ssyncset.done $0x0  }
0xb2: {  	[sflag:s12] =	ssyncadd.s32 $0xFFFFFF80  }
0xb3: {  	[tilespmem:s26], [sflag:$0x1] =	stream.indirect.gather [hbm4b:s0+s29], $0x80, s4, s29, $0xb8;
	[tilespmem:$0x1CB00] =	vst v63  }
0xb4: {  	s19 =	rddreg [dreg:$0x9]  }
0xb5: {  	[tilespmem:s30], [sflag:$0x7] =	stream.linear.gather [hbm4b:s19+s4], $0x80, $0x38;
	[tilespmem:$0x1CB00] =	vst v63  }
0xb6: {  	s20 =	rddreg [dreg:$0xa]  }
0xb7: {  	[tilespmem:s29], [sflag:$0x6] =	stream.linear.gather [hbm4b:s20+s4], $0x80, $0x38;
	[tilespmem:$0x1CB00] =	vst v63  }
0xb8: {  	_ =	swait.ge [sflag:s31], $0x4000  }
0xb9: {  	[sflag:s31] =	ssyncset.done $0x0  }
0xba: {  	[sflag:s31] =	ssyncadd.s32 $0xFFFFC000  }
0xbb: {  	_ =	swait.ge [sflag:s2], $0x80  }
0xbc: {  	[sflag:s2] =	ssyncset.done $0x0  }
0xbd: {  	[sflag:s2] =	ssyncadd.s32 $0xFFFFFF80  }
0xbe: {  	[spmem:s3] =	stream.indirect.scatter.add.f32 [tilespmem:s26], [sflag:$0x3], $0x80, s30, s29, $0xb8;
	[tilespmem:$0x1CB00] =	vst v63  }
0xbf: {  	_ =	swait.ge [sflag:s13], $0x4000  }
0xc0: {  	[sflag:s13] =	ssyncset.done $0x0  }
0xc1: {  	[sflag:s13] =	ssyncadd.s32 $0xFFFFC000  }
0xc2: {  	_ =	swait.ge [sflag:s1], $0x80  }
0xc3: {  	[sflag:s1] =	ssyncset.done $0x0  }
0xc4: {  	[sflag:s1] =	ssyncadd.s32 $0xFFFFFF80  }
0xc5: {  	[tilespmem:s7], [sflag:$0x2] =	stream.indirect.gather [hbm4b:s0+s29], $0x80, s29, s29, $0xb8;
	[tilespmem:$0x1CB00] =	vst v63  }
0xc6: {  	s25 =	rddreg [dreg:$0xb]  }
0xc7: {  	[tilespmem:s8], [sflag:$0x8] =	stream.linear.gather [hbm4b:s25+s4], $0x80, $0x38;
	[tilespmem:$0x1CB00] =	vst v63  }
0xc8: {  	_ =	swait.ge [sflag:s9], $0x4000  }
0xc9: {  	[sflag:s9] =	ssyncset.done $0x0  }
0xca: {  	[sflag:s9] =	ssyncadd.s32 $0xFFFFC000  }
0xcb: {  	_ =	swait.ge [sflag:s10], $0x80  }
0xcc: {  	[sflag:s10] =	ssyncset.done $0x0  }
0xcd: {  	[sflag:s10] =	ssyncadd.s32 $0xFFFFFF80  }
0xce: {  	[spmem:s3] =	stream.indirect.scatter.add.f32 [tilespmem:s7], [sflag:$0x4], $0x80, s8, s29, $0xb8;
	[tilespmem:$0x1CB00] =	vst v63  }
0xcf: {  	_ =	swait.ge [sflag:s11], $0x4000  }
0xd0: {  	[sflag:s11] =	ssyncset.done $0x0  }
0xd1: {  	[sflag:s11] =	ssyncadd.s32 $0xFFFFC000  }
0xd2: {  	_ =	swait.ge [sflag:s13], $0x4000  }
0xd3: {  	[sflag:s13] =	ssyncset.done $0x0  }
0xd4: {  	s20 =	rddreg [dreg:$0xc];
	[sflag:s13] =	ssyncadd.s32 $0xFFFFC000  }
0xd5: {  	[tilespmem:s14], [sflag:$0x9] =	stream.linear.gather [hbm4b:s20+s4], $0x10, $0x38;
	[tilespmem:$0x1CB00] =	vst v63  }
0xd6: {  	_ =	swait.ge [sflag:s28], $0x10  }
0xd7: {  	[sflag:s28] =	ssyncset.done $0x0  }
0xd8: {  	s25 =	rddreg [dreg:$0xd];
	[sflag:s28] =	ssyncadd.s32 $0xFFFFFFF0  }
0xd9: {  	[tilespmem:s15], [sflag:$0x9] =	stream.linear.gather [hbm4b:s25+s4], $0x10, $0x38;
	[tilespmem:$0x1CB00] =	vst v63  }
0xda: {  	_ =	swait.ge [sflag:s28], $0x10  }
0xdb: {  	[sflag:s28] =	ssyncset.done $0x0  }
0xdc: {  	[sflag:s28] =	ssyncadd.s32 $0xFFFFFFF0  }
0xdd: {  	[tilespmem:s17], [sflag:$0x1] =	stream.indirect.gather [hbm4b:s0+s16], $0x80, s14, s16, $0xb8;
	[tilespmem:$0x1CB00] =	vst v63  }
0xde: {  	_ =	swait.ge [sflag:s31], $0x800  }
0xdf: {  	[sflag:s31] =	ssyncset.done $0x0  }
0xe0: {  	[sflag:s31] =	ssyncadd.s32 $0xFFFFF800  }
0xe1: {  	[spmem:s3] =	stream.indirect.scatter.add.f32 [tilespmem:s17], [sflag:$0x9], $0x80, s15, s16, $0xb8;
	[tilespmem:$0x1CB00] =	vst v63  }
0xe2: {  	_ =	swait.ge [sflag:s28], $0x800  }
0xe3: {  	[sflag:s28] =	ssyncset.done $0x0  }
0xe4: {  	s20 =	stileid.u32;
	[sflag:s28] =	ssyncadd.s32 $0xFFFFF800  }
0xe5: {  	s19 =	sshll.u32 s20, $0x6;
	[bflag:$0x0] =	sbarrier.arrive $0xFFFF  }
0xe6: {  	s20 =	sshrl.u32 s6, $0x3;
	s19 =	sor.u32 $0x1C09, s19;
	s25 =	rddreg [dreg:$0xe]  }
0xe7: {  	[hbm:s25], [sflag:s19] =	dma.local [spmem:s20], $0x2800  }
0xe8: {  	_ =	swait.ge [sflag:s28], $0x2800  }
0xe9: {  	s18 =	sadd.s32 $0x1, s18;
	s25 =	rddreg [dreg:$0xf]  }
0xea: {  	p0 =	sne.s32 s18, s25  }
.Ltmp2:
0xeb: {  	_ = 	snop;
	(pc) =	sbr.rel @p0 .LBB2_1-.Ltmp2, $3  }
0xec: {  	_ =	sdelay $0x1  }
0xed: {  	[sflag:s28] =	ssyncset.done $0x0  }
0xee: {  	[sflag:s28] =	ssyncadd.s32 $0xFFFFD800  }
0xef: {  	_ =	sfence.sel $0x180000  }
0xf0: {  	[bflag:$0x0] =	sbarrier.arrive $0xFFFF  }
0xf1: {  	_ =	strace $0x90000047  }
0xf2: {  	s0 =	stileid.u32;
	[bflag:$0x2] =	sbarrier.arrive $0xFFFF  }
0xf3: {  	p0 =	sne.s32 s0, $0x0;
	s0 =	rddreg [dreg:$0x4]  }
0xf4: {  	s0 =	sadd.s32 @!p0 $0x100000, s0  }
0xf5: {  	[sflag:s0] =	ssyncadd.tile.s32 @!p0 $0x1;
	_ =	shalt  }
.Lfunc_end2:
_tile_overlayer_lowered:
.L_overlay_start_2:
0xf6: {  	(tag) =	ssettag $0x2  }
0xf7: {  	s0 =	rddreg [dreg:$0x0];
	s2 =	stileid.u32  }
0xf8: {  	s1 =	rddreg [dreg:$0x1];
	p0 =	sne.s32 s2, $0x0  }
0xf9: {  	s3 =	rddreg [dreg:$0x2];
	[bflag:$0x3] =	sbarrier.arrive $0xFFFF;
	s2 =	simm.s32 @!p0 $0x1C09  }
0xfa: {  	[timem:s3], [sflag:s2] =	dma.local @!p0 [hbm:s0], s1  }
0xfb: {  	s0 =	simm.s32 @!p0 $0x9  }
0xfc: {  	_ =	swait.ge @!p0 [sflag:s0], s1  }
0xfd: {  	s1 =	ssub.s32 @!p0 $0x0, s1;
	[sflag:s0] =	ssyncset.done @!p0 $0x0  }
0xfe: {  	[sflag:s0] =	ssyncadd.s32 @!p0 s1  }
0xff: {  	[bflag:$0x3] =	sbarrier.arrive $0xFFFF  }
0x100: {  	_ =	shalt  }

</sc_bundles>
